<compile_context>
chip_gen: v7x
topology: tpu7x:2x2x1
jax: 0.10.2.dev20260603
libtpu: 0.0.44.dev20260713+nightly
codegen_flags: <defaults>
</compile_context>

<pallas_src>
import functools

import jax
import jax.numpy as jnp
from jax import lax
from jax.experimental import pallas as pl
from jax.experimental.pallas import tpu as pltpu
from jax.experimental.pallas import tpu_sc as plsc

N = 10000
D = 128
E = 320000
G = 64

NC = 2
NS = 16
NW = NC * NS
CH = 96
EPT = E // NW
NBUF = 2
K = 106
EPT_PAD = K * CH
E_PAD = NW * EPT_PAD
SCAT_ROWS = 10112
RPT = SCAT_ROWS // NS
NZB = 1
ZB = RPT // NZB
TRASH = N

DEGW = 128

RB = 1000
NBLK = N // RB

_sc_mesh = plsc.VectorSubcoreMesh(core_axis_name="c", subcore_axis_name="s")


@functools.partial(
    pl.kernel,
    out_type=jax.ShapeDtypeStruct((NC, SCAT_ROWS, DEGW), jnp.float32),
    mesh=_sc_mesh,
    scratch_types=[
        pltpu.VMEM((K, CH), jnp.int32),
        pltpu.VMEM((CH, DEGW), jnp.float32),
        pltpu.VMEM_SHARED((SCAT_ROWS, DEGW), jnp.float32),
        pltpu.SemaphoreType.DMA,
    ],
)
def _deg_kernel(dst3, ones_col, zeros_col, out, idx_v, ones_v, deg_sh, dsem):
    c = lax.axis_index("c")
    s = lax.axis_index("s")
    wid = c * NS + s
    pltpu.sync_copy(zeros_col, deg_sh.at[pl.ds(s * RPT, RPT)])
    pltpu.sync_copy(ones_col, ones_v)
    pltpu.sync_copy(dst3.at[wid], idx_v)
    plsc.subcore_barrier()

    def fire(j, carry):
        pltpu.async_copy(ones_v, deg_sh.at[idx_v.at[j]], dsem, add=True)
        return carry

    lax.fori_loop(0, K, fire, 0)

    def drain(j, carry):
        pltpu.make_async_copy(ones_v, deg_sh.at[idx_v.at[j]], dsem).wait()
        return carry

    lax.fori_loop(0, K, drain, 0)
    plsc.subcore_barrier()
    pltpu.sync_copy(deg_sh.at[pl.ds(s * RPT, RPT)], out.at[c, pl.ds(s * RPT, RPT)])


@functools.partial(
    pl.kernel,
    out_type=jax.ShapeDtypeStruct((NC, SCAT_ROWS, D), jnp.float32),
    mesh=_sc_mesh,
    scratch_types=[
        pltpu.VMEM((EPT_PAD,), jnp.int32),
        pltpu.VMEM((K, CH), jnp.int32),
        [pltpu.VMEM((CH, D), jnp.float32) for _ in range(NBUF)],
        pltpu.VMEM_SHARED((SCAT_ROWS, D), jnp.float32),
        [pltpu.SemaphoreType.DMA for _ in range(NBUF)],
    ],
)
def _edge_kernel(u, src2, dst3, zeros_blk, out, src_v, dst_v, bufs, scat_sh,
                 gsems):
    c = lax.axis_index("c")
    s = lax.axis_index("s")
    wid = c * NS + s
    for t in range(NZB):
        pltpu.sync_copy(zeros_blk, scat_sh.at[pl.ds(s * RPT + t * ZB, ZB)])
    pltpu.sync_copy(src2.at[wid], src_v)
    pltpu.sync_copy(dst3.at[wid], dst_v)
    plsc.subcore_barrier()

    for b in range(NBUF):
        pltpu.async_copy(u.at[src_v.at[pl.ds(b * CH, CH)]], bufs[b], gsems[b])

    def group(i, carry):
        for b in range(NBUF):
            j = i * NBUF + b
            pltpu.make_async_copy(
                u.at[src_v.at[pl.ds(j * CH, CH)]], bufs[b], gsems[b]).wait()
            pltpu.sync_copy(bufs[b], scat_sh.at[dst_v.at[j]], add=True)

            @pl.when(j + NBUF < K)
            def _():
                pltpu.async_copy(
                    u.at[src_v.at[pl.ds((j + NBUF) * CH, CH)]], bufs[b],
                    gsems[b])
        return carry

    lax.fori_loop(0, K // NBUF, group, 0)
    plsc.subcore_barrier()
    pltpu.sync_copy(scat_sh.at[pl.ds(s * RPT, RPT)], out.at[c, pl.ds(s * RPT, RPT)])


def _tc1_body(x_ref, w_ref, da_ref, db_ref, u_ref, dinv_ref):
    deg = da_ref[...] + db_ref[...] + 1.0
    dinv = lax.rsqrt(deg)
    xw = jnp.dot(x_ref[...], w_ref[...], preferred_element_type=jnp.float32)
    u_ref[...] = xw * dinv
    dinv_ref[...] = dinv


def _tc1(x, W1, dega, degb):
    return pl.pallas_call(
        _tc1_body,
        grid=(NBLK,),
        in_specs=[
            pl.BlockSpec((RB, D), lambda i: (i, 0)),
            pl.BlockSpec((D, D), lambda i: (0, 0)),
            pl.BlockSpec((RB, 1), lambda i: (i, 0)),
            pl.BlockSpec((RB, 1), lambda i: (i, 0)),
        ],
        out_specs=[
            pl.BlockSpec((RB, D), lambda i: (i, 0)),
            pl.BlockSpec((RB, 1), lambda i: (i, 0)),
        ],
        out_shape=[
            jax.ShapeDtypeStruct((N, D), jnp.float32),
            jax.ShapeDtypeStruct((N, 1), jnp.float32),
        ],
    )(x, W1, dega, degb)


def _tc2_body(sa_ref, sb_ref, u_ref, dinv_ref, b_ref, w_ref, h_ref, u2_ref):
    dv = dinv_ref[...]
    h = jnp.maximum((sa_ref[...] + sb_ref[...] + u_ref[...]) * dv + b_ref[...], 0.0)
    h_ref[...] = h
    u2_ref[...] = jnp.dot(h, w_ref[...], preferred_element_type=jnp.float32) * dv


def _tc2(sa, sb, u1, dinv, b1, W2):
    return pl.pallas_call(
        _tc2_body,
        grid=(NBLK,),
        in_specs=[
            pl.BlockSpec((RB, D), lambda i: (i, 0)),
            pl.BlockSpec((RB, D), lambda i: (i, 0)),
            pl.BlockSpec((RB, D), lambda i: (i, 0)),
            pl.BlockSpec((RB, 1), lambda i: (i, 0)),
            pl.BlockSpec((1, D), lambda i: (0, 0)),
            pl.BlockSpec((D, D), lambda i: (0, 0)),
        ],
        out_specs=[
            pl.BlockSpec((RB, D), lambda i: (i, 0)),
            pl.BlockSpec((RB, D), lambda i: (i, 0)),
        ],
        out_shape=[
            jax.ShapeDtypeStruct((N, D), jnp.float32),
            jax.ShapeDtypeStruct((N, D), jnp.float32),
        ],
    )(sa, sb, u1, dinv, b1, W2)


def _tc3_body(sa_ref, sb_ref, u2_ref, dinv_ref, b2_ref, h1_ref, batch_ref,
              wout_ref, bout_ref, out_ref):
    h2 = ((sa_ref[...] + sb_ref[...] + u2_ref[...]) * dinv_ref[...]
          + b2_ref[...] + h1_ref[...])
    bt = batch_ref[...]
    ids = lax.broadcasted_iota(jnp.int32, (G, N), 0)
    p = (ids == jnp.broadcast_to(bt, (G, N))).astype(jnp.float32)
    sums = jnp.dot(p, h2, preferred_element_type=jnp.float32)
    cnt = jnp.sum(p, axis=1, keepdims=True)
    gm = sums / jnp.maximum(cnt, 1.0)
    out_ref[...] = lax.dot_general(
        gm, wout_ref[...], (((1,), (1,)), ((), ())),
        preferred_element_type=jnp.float32) + bout_ref[...]


def _tc3(sa, sb, u2, dinv, b2, h1, batch2d, Wout, bout):
    return pl.pallas_call(
        _tc3_body,
        out_shape=jax.ShapeDtypeStruct((G, D), jnp.float32),
    )(sa, sb, u2, dinv, b2, h1, batch2d, Wout, bout)


def kernel(x, edge_index, batch, W1, b1, W2, b2, Wout, bout):
    src = edge_index[0].astype(jnp.int32)
    dst = edge_index[1].astype(jnp.int32)
    pad = E_PAD - E
    src2 = jnp.concatenate([src, jnp.zeros((pad,), jnp.int32)]).reshape(NW, EPT_PAD)
    dst3 = jnp.concatenate([dst, jnp.full((pad,), TRASH, jnp.int32)]).reshape(NW, K, CH)
    ones_col = jnp.ones((CH, DEGW), jnp.float32)
    zeros_col = jnp.zeros((RPT, DEGW), jnp.float32)
    zeros_blk = jnp.zeros((ZB, D), jnp.float32)

    deg = _deg_kernel(dst3, ones_col, zeros_col)
    dega = deg[0, :N, 0:1]
    degb = deg[1, :N, 0:1]
    u1, dinv = _tc1(x, W1, dega, degb)
    s1 = _edge_kernel(u1, src2, dst3, zeros_blk)
    h1, u2 = _tc2(s1[0, :N], s1[1, :N], u1, dinv, b1.reshape(1, D), W2)
    s2 = _edge_kernel(u2, src2, dst3, zeros_blk)
    out = _tc3(s2[0, :N], s2[1, :N], u2, dinv, b2.reshape(1, D), h1,
               batch.reshape(1, N).astype(jnp.int32), Wout,
               bout.reshape(1, D))
    return out

# --- scband reference (transcript-rebuilt; emitter-appended) ---
"""Pipeline reference for scband-graph-encoder-46136538693911 (READ-ONLY COPY).

The authoritative reference and input builder live on the scoring server;
editing this copy changes nothing except your own understanding.
"""

import jax, jax.numpy as jnp
import numpy as np

N_NODES = 10000
N_EDGES = 320000
D = 128
NUM_GRAPHS = 64


def gcn_conv(x, edge_index, W, b):
    n = x.shape[0]
    loop = jnp.arange(n, dtype=edge_index.dtype)
    src = jnp.concatenate([edge_index[0], loop])
    dst = jnp.concatenate([edge_index[1], loop])
    deg = jnp.zeros((n,), dtype=x.dtype).at[dst].add(1.0)
    dinv = 1.0 / jnp.sqrt(deg)
    norm = dinv[src] * dinv[dst]
    xw = x @ W
    msgs = jnp.take(xw, src, axis=0) * norm[:, None]
    out = jnp.zeros((n, W.shape[1]), dtype=x.dtype).at[dst].add(msgs)
    return out + b


def global_mean_pool(h, batch_idx, num_graphs):
    sums = jax.ops.segment_sum(h, batch_idx, num_segments=num_graphs)
    cnts = jax.ops.segment_sum(jnp.ones((h.shape[0],), dtype=h.dtype), batch_idx, num_segments=num_graphs)
    cnts = jnp.clip(cnts, 1.0)
    return sums / cnts[:, None]


def setup_inputs(seed: int = 0) -> dict:
    key = jax.random.key(seed)
    ks = jax.random.split(key, 10)
    x = jax.random.normal(ks[0], (N_NODES, D), dtype=jnp.float32)
    edge_index = jax.random.randint(ks[1], (2, N_EDGES), 0, N_NODES, dtype=jnp.int64 if jax.config.jax_enable_x64 else jnp.int32)
    batch = jnp.sort(jax.random.randint(ks[2], (N_NODES,), 0, NUM_GRAPHS, dtype=jnp.int32))
    s = 1.0 / np.sqrt(D)
    W1 = jax.random.uniform(ks[3], (D, D), jnp.float32, -s, s)
    b1 = jax.random.uniform(ks[4], (D,), jnp.float32, -s, s)
    W2 = jax.random.uniform(ks[5], (D, D), jnp.float32, -s, s)
    b2 = jax.random.uniform(ks[6], (D,), jnp.float32, -s, s)
    Wout = jax.random.uniform(ks[7], (D, D), jnp.float32, -s, s)
    bout = jax.random.uniform(ks[8], (D,), jnp.float32, -s, s)
    return {"x": x, "edge_index": edge_index, "batch": batch, "W1": W1, "b1": b1, "W2": W2, "b2": b2, "Wout": Wout, "bout": bout}


def reference(x, edge_index, batch, W1, b1, W2, b2, Wout, bout):
    h = jax.nn.relu(gcn_conv(x, edge_index, W1, b1))
    h = gcn_conv(h, edge_index, W2, b2) + h
    g = global_mean_pool(h, batch, NUM_GRAPHS)
    g = g @ Wout.T + bout
    return g

if __name__ == "__main__":
    import jax
    _d = setup_inputs()
    print(jax.jit(kernel)(*tuple(_d.values())))

</pallas_src>

<mosaic_0001>
#map = affine_map<(d0, d1) -> (0, 0, 0)>
#map1 = affine_map<(d0, d1) -> (0, 0)>
module attributes {stable_mosaic.version = 14 : i64} {
  func.func @_deg_kernel(%arg0: i32, %arg1: i32, %arg2: memref<32x106x96xi32, #tpu.memory_space<hbm>>, %arg3: memref<96x128xf32, #tpu.memory_space<hbm>>, %arg4: memref<632x128xf32, #tpu.memory_space<hbm>>, %arg5: memref<2x10112x128xf32, #tpu.memory_space<hbm>>, %arg6: memref<106x96xi32, #tpu.memory_space<vmem>>, %arg7: memref<96x128xf32, #tpu.memory_space<vmem>>, %arg8: memref<10112x128xf32, #tpu.memory_space<vmem_shared>>, %arg9: memref<!tpu.dma_semaphore, #tpu.memory_space<semaphore_mem>>) attributes {dimension_semantics = [#tpu.dimension_semantics<core_parallel>, #tpu.dimension_semantics<subcore_parallel>], iteration_bounds = array<i64: 2, 16>, scalar_prefetch = 0 : i64, scratch_operands = 4 : i64, tpu.core_type = #tpu.core_type<sc_vector_subcore>, window_params = [{transform_indices = #map}, {transform_indices = #map1}, {transform_indices = #map1}, {transform_indices = #map}]} {
    %mul3A = arith.constant 16 : i32
    %mul3A_0 = arith.muli %arg0, %mul3A : i32
    %add3A = arith.addi %mul3A_0, %arg1 : i32
    %mul3A_1 = arith.constant 632 : i32
    %mul3A_2 = arith.muli %arg1, %mul3A_1 : i32
    "tpu.region"() ({
      %run_scoped3A = tpu.sem_alloc : memref<!tpu.dma_semaphore, #tpu.memory_space<semaphore_mem>>
      %dma_start3A = arith.constant 0 : i32
      %dma_start3A_19 = tpu.memref_slice %arg8[%mul3A_2, %dma_start3A] : memref<10112x128xf32, #tpu.memory_space<vmem_shared>> -> memref<632x128xf32, #tpu.memory_space<vmem_shared>>
      tpu.enqueue_dma source(%arg4 : memref<632x128xf32, #tpu.memory_space<hbm>>) target(%dma_start3A_19 : memref<632x128xf32, #tpu.memory_space<vmem_shared>>) target_semaphore(%run_scoped3A : memref<!tpu.dma_semaphore, #tpu.memory_space<semaphore_mem>>)
      %dma_wait3A = arith.constant 0 : i32
      %dma_wait3A_20 = tpu.memref_slice %arg8[%mul3A_2, %dma_wait3A] : memref<10112x128xf32, #tpu.memory_space<vmem_shared>> -> memref<632x128xf32, #tpu.memory_space<vmem_shared>>
      tpu.wait_dma2 semaphore(%run_scoped3A : memref<!tpu.dma_semaphore, #tpu.memory_space<semaphore_mem>>) src(%arg4 : memref<632x128xf32, #tpu.memory_space<hbm>>) dst(%dma_wait3A_20 : memref<632x128xf32, #tpu.memory_space<vmem_shared>>)
      tpu.yield
    }) : () -> ()
    "tpu.region"() ({
      %run_scoped3A = tpu.sem_alloc : memref<!tpu.dma_semaphore, #tpu.memory_space<semaphore_mem>>
      tpu.enqueue_dma source(%arg3 : memref<96x128xf32, #tpu.memory_space<hbm>>) target(%arg7 : memref<96x128xf32, #tpu.memory_space<vmem>>) target_semaphore(%run_scoped3A : memref<!tpu.dma_semaphore, #tpu.memory_space<semaphore_mem>>)
      tpu.wait_dma2 semaphore(%run_scoped3A : memref<!tpu.dma_semaphore, #tpu.memory_space<semaphore_mem>>) src(%arg3 : memref<96x128xf32, #tpu.memory_space<hbm>>) dst(%arg7 : memref<96x128xf32, #tpu.memory_space<vmem>>)
      tpu.yield
    }) : () -> ()
    "tpu.region"() ({
      %run_scoped3A = tpu.sem_alloc : memref<!tpu.dma_semaphore, #tpu.memory_space<semaphore_mem>>
      %dma_start3A = arith.constant 0 : i32
      %dma_start3A_19 = arith.constant 0 : i32
      %dma_start3A_20 = tpu.memref_slice %arg2[%add3A, %dma_start3A, %dma_start3A_19] : memref<32x106x96xi32, #tpu.memory_space<hbm>> -> memref<1x106x96xi32, #tpu.memory_space<hbm>>
      %dma_start3A_21 = tpu.memref_squeeze %dma_start3A_20 : memref<1x106x96xi32, #tpu.memory_space<hbm>> -> memref<106x96xi32, #tpu.memory_space<hbm>>
      %dma_start3A_22 = arith.constant 0 : i32
      %dma_start3A_23 = arith.constant 0 : i32
      %dma_start3A_24 = tpu.memref_slice %arg2[%add3A, %dma_start3A_22, %dma_start3A_23] : memref<32x106x96xi32, #tpu.memory_space<hbm>> -> memref<1x106x96xi32, #tpu.memory_space<hbm>>
      %dma_start3A_25 = tpu.memref_squeeze %dma_start3A_24 : memref<1x106x96xi32, #tpu.memory_space<hbm>> -> memref<106x96xi32, #tpu.memory_space<hbm>>
      tpu.enqueue_dma source(%dma_start3A_25 : memref<106x96xi32, #tpu.memory_space<hbm>>) target(%arg6 : memref<106x96xi32, #tpu.memory_space<vmem>>) target_semaphore(%run_scoped3A : memref<!tpu.dma_semaphore, #tpu.memory_space<semaphore_mem>>)
      %dma_wait3A = arith.constant 0 : i32
      %dma_wait3A_26 = arith.constant 0 : i32
      %dma_wait3A_27 = tpu.memref_slice %arg2[%add3A, %dma_wait3A, %dma_wait3A_26] : memref<32x106x96xi32, #tpu.memory_space<hbm>> -> memref<1x106x96xi32, #tpu.memory_space<hbm>>
      %dma_wait3A_28 = tpu.memref_squeeze %dma_wait3A_27 : memref<1x106x96xi32, #tpu.memory_space<hbm>> -> memref<106x96xi32, #tpu.memory_space<hbm>>
      %dma_wait3A_29 = arith.constant 0 : i32
      %dma_wait3A_30 = arith.constant 0 : i32
      %dma_wait3A_31 = tpu.memref_slice %arg2[%add3A, %dma_wait3A_29, %dma_wait3A_30] : memref<32x106x96xi32, #tpu.memory_space<hbm>> -> memref<1x106x96xi32, #tpu.memory_space<hbm>>
      %dma_wait3A_32 = tpu.memref_squeeze %dma_wait3A_31 : memref<1x106x96xi32, #tpu.memory_space<hbm>> -> memref<106x96xi32, #tpu.memory_space<hbm>>
      tpu.wait_dma2 semaphore(%run_scoped3A : memref<!tpu.dma_semaphore, #tpu.memory_space<semaphore_mem>>) src(%dma_wait3A_32 : memref<106x96xi32, #tpu.memory_space<hbm>>) dst(%arg6 : memref<106x96xi32, #tpu.memory_space<vmem>>)
      tpu.yield
    }) : () -> ()
    %barrier3A = arith.constant 0 : index
    tpu.barrier barrier_id(%barrier3A)
    %scan3A = arith.constant 0 : i32
    %scan3A_3 = arith.constant 0 : i32
    %scan3A_4 = arith.constant 106 : i32
    %scan3A_5 = arith.addi %scan3A_3, %scan3A_4 : i32
    %scan3A_6 = arith.constant 1 : i32
    scf.for %scan3A_19 = %scan3A_3 to %scan3A_5 step %scan3A_6  : i32 {
      %dma_start3A = arith.constant 0 : i32
      %dma_start3A_20 = tpu.memref_slice %arg6[%scan3A_19, %dma_start3A] : memref<106x96xi32, #tpu.memory_space<vmem>> -> memref<1x96xi32, #tpu.memory_space<vmem>>
      %dma_start3A_21 = tpu.memref_squeeze %dma_start3A_20 : memref<1x96xi32, #tpu.memory_space<vmem>> -> memref<96xi32, #tpu.memory_space<vmem>>
      %dma_start3A_22 = arith.constant 0 : i32
      %dma_start3A_23 = arith.constant 0 : i32
      %dma_start3A_24 = tpu.memref_slice %arg8[%dma_start3A_22, %dma_start3A_23] : memref<10112x128xf32, #tpu.memory_space<vmem_shared>> -> memref<10112x128xf32, #tpu.memory_space<vmem_shared>>
      tpu.enqueue_indirect_dma source(%arg7 : memref<96x128xf32, #tpu.memory_space<vmem>>) target(%dma_start3A_24 : memref<10112x128xf32, #tpu.memory_space<vmem_shared>>) offsets(%dma_start3A_21 : memref<96xi32, #tpu.memory_space<vmem>>) semaphore(%arg9 : memref<!tpu.dma_semaphore, #tpu.memory_space<semaphore_mem>>) {add = true}
    }
    %scan3A_7 = arith.constant 106 : i32
    %scan3A_8 = arith.constant 0 : i32
    %scan3A_9 = arith.constant 0 : i32
    %scan3A_10 = arith.constant 106 : i32
    %scan3A_11 = arith.addi %scan3A_9, %scan3A_10 : i32
    %scan3A_12 = arith.constant 1 : i32
    scf.for %scan3A_19 = %scan3A_9 to %scan3A_11 step %scan3A_12  : i32 {
      %dma_wait3A = arith.constant 0 : i32
      %dma_wait3A_20 = tpu.memref_slice %arg6[%scan3A_19, %dma_wait3A] : memref<106x96xi32, #tpu.memory_space<vmem>> -> memref<1x96xi32, #tpu.memory_space<vmem>>
      %dma_wait3A_21 = tpu.memref_squeeze %dma_wait3A_20 : memref<1x96xi32, #tpu.memory_space<vmem>> -> memref<96xi32, #tpu.memory_space<vmem>>
      %dma_wait3A_22 = arith.constant 0 : i32
      %dma_wait3A_23 = arith.constant 0 : i32
      %dma_wait3A_24 = tpu.memref_slice %arg8[%dma_wait3A_22, %dma_wait3A_23] : memref<10112x128xf32, #tpu.memory_space<vmem_shared>> -> memref<10112x128xf32, #tpu.memory_space<vmem_shared>>
      tpu.wait_indirect_dma semaphore(%arg9 : memref<!tpu.dma_semaphore, #tpu.memory_space<semaphore_mem>>) src(%arg7 : memref<96x128xf32, #tpu.memory_space<vmem>>) dst(%dma_wait3A_24 : memref<10112x128xf32, #tpu.memory_space<vmem_shared>>)
    }
    %scan3A_13 = arith.constant 106 : i32
    %barrier3A_14 = arith.constant 0 : index
    tpu.barrier barrier_id(%barrier3A_14)
    %mul3A_15 = arith.constant 632 : i32
    %mul3A_16 = arith.muli %arg1, %mul3A_15 : i32
    %mul3A_17 = arith.constant 632 : i32
    %mul3A_18 = arith.muli %arg1, %mul3A_17 : i32
    "tpu.region"() ({
      %run_scoped3A = tpu.sem_alloc : memref<!tpu.dma_semaphore, #tpu.memory_space<semaphore_mem>>
      %dma_start3A = arith.constant 0 : i32
      %dma_start3A_19 = tpu.memref_slice %arg5[%arg0, %mul3A_18, %dma_start3A] : memref<2x10112x128xf32, #tpu.memory_space<hbm>> -> memref<1x632x128xf32, #tpu.memory_space<hbm>>
      %dma_start3A_20 = tpu.memref_squeeze %dma_start3A_19 : memref<1x632x128xf32, #tpu.memory_space<hbm>> -> memref<632x128xf32, #tpu.memory_space<hbm>>
      %dma_start3A_21 = arith.constant 0 : i32
      %dma_start3A_22 = tpu.memref_slice %arg8[%mul3A_16, %dma_start3A_21] : memref<10112x128xf32, #tpu.memory_space<vmem_shared>> -> memref<632x128xf32, #tpu.memory_space<vmem_shared>>
      tpu.enqueue_dma source(%dma_start3A_22 : memref<632x128xf32, #tpu.memory_space<vmem_shared>>) target(%dma_start3A_20 : memref<632x128xf32, #tpu.memory_space<hbm>>) target_semaphore(%run_scoped3A : memref<!tpu.dma_semaphore, #tpu.memory_space<semaphore_mem>>)
      %dma_wait3A = arith.constant 0 : i32
      %dma_wait3A_23 = tpu.memref_slice %arg5[%arg0, %mul3A_18, %dma_wait3A] : memref<2x10112x128xf32, #tpu.memory_space<hbm>> -> memref<1x632x128xf32, #tpu.memory_space<hbm>>
      %dma_wait3A_24 = tpu.memref_squeeze %dma_wait3A_23 : memref<1x632x128xf32, #tpu.memory_space<hbm>> -> memref<632x128xf32, #tpu.memory_space<hbm>>
      %dma_wait3A_25 = arith.constant 0 : i32
      %dma_wait3A_26 = tpu.memref_slice %arg8[%mul3A_16, %dma_wait3A_25] : memref<10112x128xf32, #tpu.memory_space<vmem_shared>> -> memref<632x128xf32, #tpu.memory_space<vmem_shared>>
      tpu.wait_dma2 semaphore(%run_scoped3A : memref<!tpu.dma_semaphore, #tpu.memory_space<semaphore_mem>>) src(%dma_wait3A_26 : memref<632x128xf32, #tpu.memory_space<vmem_shared>>) dst(%dma_wait3A_24 : memref<632x128xf32, #tpu.memory_space<hbm>>)
      tpu.yield
    }) : () -> ()
    return
  }
}

#map = affine_map<(d0, d1) -> (0, 0)>
#map1 = affine_map<(d0, d1) -> (0, 0, 0)>
module attributes {stable_mosaic.version = 14 : i64} {
  func.func @_edge_kernel(%arg0: i32, %arg1: i32, %arg2: memref<10000x128xf32, #tpu.memory_space<hbm>>, %arg3: memref<32x10176xi32, #tpu.memory_space<hbm>>, %arg4: memref<32x106x96xi32, #tpu.memory_space<hbm>>, %arg5: memref<632x128xf32, #tpu.memory_space<hbm>>, %arg6: memref<2x10112x128xf32, #tpu.memory_space<hbm>>, %arg7: memref<10176xi32, #tpu.memory_space<vmem>>, %arg8: memref<106x96xi32, #tpu.memory_space<vmem>>, %arg9: memref<96x128xf32, #tpu.memory_space<vmem>>, %arg10: memref<96x128xf32, #tpu.memory_space<vmem>>, %arg11: memref<10112x128xf32, #tpu.memory_space<vmem_shared>>, %arg12: memref<!tpu.dma_semaphore, #tpu.memory_space<semaphore_mem>>, %arg13: memref<!tpu.dma_semaphore, #tpu.memory_space<semaphore_mem>>) attributes {dimension_semantics = [#tpu.dimension_semantics<core_parallel>, #tpu.dimension_semantics<subcore_parallel>], iteration_bounds = array<i64: 2, 16>, scalar_prefetch = 0 : i64, scratch_operands = 7 : i64, tpu.core_type = #tpu.core_type<sc_vector_subcore>, window_params = [{transform_indices = #map}, {transform_indices = #map}, {transform_indices = #map1}, {transform_indices = #map}, {transform_indices = #map1}]} {
    %mul3A = arith.constant 16 : i32
    %mul3A_0 = arith.muli %arg0, %mul3A : i32
    %add3A = arith.addi %mul3A_0, %arg1 : i32
    %mul3A_1 = arith.constant 632 : i32
    %mul3A_2 = arith.muli %arg1, %mul3A_1 : i32
    %add3A_3 = arith.constant 0 : i32
    %add3A_4 = arith.addi %mul3A_2, %add3A_3 : i32
    "tpu.region"() ({
      %run_scoped3A = tpu.sem_alloc : memref<!tpu.dma_semaphore, #tpu.memory_space<semaphore_mem>>
      %dma_start3A_24 = arith.constant 0 : i32
      %dma_start3A_25 = tpu.memref_slice %arg11[%add3A_4, %dma_start3A_24] : memref<10112x128xf32, #tpu.memory_space<vmem_shared>> -> memref<632x128xf32, #tpu.memory_space<vmem_shared>>
      tpu.enqueue_dma source(%arg5 : memref<632x128xf32, #tpu.memory_space<hbm>>) target(%dma_start3A_25 : memref<632x128xf32, #tpu.memory_space<vmem_shared>>) target_semaphore(%run_scoped3A : memref<!tpu.dma_semaphore, #tpu.memory_space<semaphore_mem>>)
      %dma_wait3A = arith.constant 0 : i32
      %dma_wait3A_26 = tpu.memref_slice %arg11[%add3A_4, %dma_wait3A] : memref<10112x128xf32, #tpu.memory_space<vmem_shared>> -> memref<632x128xf32, #tpu.memory_space<vmem_shared>>
      tpu.wait_dma2 semaphore(%run_scoped3A : memref<!tpu.dma_semaphore, #tpu.memory_space<semaphore_mem>>) src(%arg5 : memref<632x128xf32, #tpu.memory_space<hbm>>) dst(%dma_wait3A_26 : memref<632x128xf32, #tpu.memory_space<vmem_shared>>)
      tpu.yield
    }) : () -> ()
    "tpu.region"() ({
      %run_scoped3A = tpu.sem_alloc : memref<!tpu.dma_semaphore, #tpu.memory_space<semaphore_mem>>
      %dma_start3A_24 = arith.constant 0 : i32
      %dma_start3A_25 = tpu.memref_slice %arg3[%add3A, %dma_start3A_24] : memref<32x10176xi32, #tpu.memory_space<hbm>> -> memref<1x10176xi32, #tpu.memory_space<hbm>>
      %dma_start3A_26 = tpu.memref_squeeze %dma_start3A_25 : memref<1x10176xi32, #tpu.memory_space<hbm>> -> memref<10176xi32, #tpu.memory_space<hbm>>
      %dma_start3A_27 = arith.constant 0 : i32
      %dma_start3A_28 = tpu.memref_slice %arg3[%add3A, %dma_start3A_27] : memref<32x10176xi32, #tpu.memory_space<hbm>> -> memref<1x10176xi32, #tpu.memory_space<hbm>>
      %dma_start3A_29 = tpu.memref_squeeze %dma_start3A_28 : memref<1x10176xi32, #tpu.memory_space<hbm>> -> memref<10176xi32, #tpu.memory_space<hbm>>
      tpu.enqueue_dma source(%dma_start3A_29 : memref<10176xi32, #tpu.memory_space<hbm>>) target(%arg7 : memref<10176xi32, #tpu.memory_space<vmem>>) target_semaphore(%run_scoped3A : memref<!tpu.dma_semaphore, #tpu.memory_space<semaphore_mem>>)
      %dma_wait3A = arith.constant 0 : i32
      %dma_wait3A_30 = tpu.memref_slice %arg3[%add3A, %dma_wait3A] : memref<32x10176xi32, #tpu.memory_space<hbm>> -> memref<1x10176xi32, #tpu.memory_space<hbm>>
      %dma_wait3A_31 = tpu.memref_squeeze %dma_wait3A_30 : memref<1x10176xi32, #tpu.memory_space<hbm>> -> memref<10176xi32, #tpu.memory_space<hbm>>
      %dma_wait3A_32 = arith.constant 0 : i32
      %dma_wait3A_33 = tpu.memref_slice %arg3[%add3A, %dma_wait3A_32] : memref<32x10176xi32, #tpu.memory_space<hbm>> -> memref<1x10176xi32, #tpu.memory_space<hbm>>
      %dma_wait3A_34 = tpu.memref_squeeze %dma_wait3A_33 : memref<1x10176xi32, #tpu.memory_space<hbm>> -> memref<10176xi32, #tpu.memory_space<hbm>>
      tpu.wait_dma2 semaphore(%run_scoped3A : memref<!tpu.dma_semaphore, #tpu.memory_space<semaphore_mem>>) src(%dma_wait3A_34 : memref<10176xi32, #tpu.memory_space<hbm>>) dst(%arg7 : memref<10176xi32, #tpu.memory_space<vmem>>)
      tpu.yield
    }) : () -> ()
    "tpu.region"() ({
      %run_scoped3A = tpu.sem_alloc : memref<!tpu.dma_semaphore, #tpu.memory_space<semaphore_mem>>
      %dma_start3A_24 = arith.constant 0 : i32
      %dma_start3A_25 = arith.constant 0 : i32
      %dma_start3A_26 = tpu.memref_slice %arg4[%add3A, %dma_start3A_24, %dma_start3A_25] : memref<32x106x96xi32, #tpu.memory_space<hbm>> -> memref<1x106x96xi32, #tpu.memory_space<hbm>>
      %dma_start3A_27 = tpu.memref_squeeze %dma_start3A_26 : memref<1x106x96xi32, #tpu.memory_space<hbm>> -> memref<106x96xi32, #tpu.memory_space<hbm>>
      %dma_start3A_28 = arith.constant 0 : i32
      %dma_start3A_29 = arith.constant 0 : i32
      %dma_start3A_30 = tpu.memref_slice %arg4[%add3A, %dma_start3A_28, %dma_start3A_29] : memref<32x106x96xi32, #tpu.memory_space<hbm>> -> memref<1x106x96xi32, #tpu.memory_space<hbm>>
      %dma_start3A_31 = tpu.memref_squeeze %dma_start3A_30 : memref<1x106x96xi32, #tpu.memory_space<hbm>> -> memref<106x96xi32, #tpu.memory_space<hbm>>
      tpu.enqueue_dma source(%dma_start3A_31 : memref<106x96xi32, #tpu.memory_space<hbm>>) target(%arg8 : memref<106x96xi32, #tpu.memory_space<vmem>>) target_semaphore(%run_scoped3A : memref<!tpu.dma_semaphore, #tpu.memory_space<semaphore_mem>>)
      %dma_wait3A = arith.constant 0 : i32
      %dma_wait3A_32 = arith.constant 0 : i32
      %dma_wait3A_33 = tpu.memref_slice %arg4[%add3A, %dma_wait3A, %dma_wait3A_32] : memref<32x106x96xi32, #tpu.memory_space<hbm>> -> memref<1x106x96xi32, #tpu.memory_space<hbm>>
      %dma_wait3A_34 = tpu.memref_squeeze %dma_wait3A_33 : memref<1x106x96xi32, #tpu.memory_space<hbm>> -> memref<106x96xi32, #tpu.memory_space<hbm>>
      %dma_wait3A_35 = arith.constant 0 : i32
      %dma_wait3A_36 = arith.constant 0 : i32
      %dma_wait3A_37 = tpu.memref_slice %arg4[%add3A, %dma_wait3A_35, %dma_wait3A_36] : memref<32x106x96xi32, #tpu.memory_space<hbm>> -> memref<1x106x96xi32, #tpu.memory_space<hbm>>
      %dma_wait3A_38 = tpu.memref_squeeze %dma_wait3A_37 : memref<1x106x96xi32, #tpu.memory_space<hbm>> -> memref<106x96xi32, #tpu.memory_space<hbm>>
      tpu.wait_dma2 semaphore(%run_scoped3A : memref<!tpu.dma_semaphore, #tpu.memory_space<semaphore_mem>>) src(%dma_wait3A_38 : memref<106x96xi32, #tpu.memory_space<hbm>>) dst(%arg8 : memref<106x96xi32, #tpu.memory_space<vmem>>)
      tpu.yield
    }) : () -> ()
    %barrier3A = arith.constant 0 : index
    tpu.barrier barrier_id(%barrier3A)
    %dma_start3A = arith.constant 0 : i32
    %dma_start3A_5 = tpu.memref_slice %arg7[%dma_start3A] : memref<10176xi32, #tpu.memory_space<vmem>> -> memref<96xi32, #tpu.memory_space<vmem>>
    %dma_start3A_6 = arith.constant 0 : i32
    %dma_start3A_7 = arith.constant 0 : i32
    %dma_start3A_8 = tpu.memref_slice %arg2[%dma_start3A_6, %dma_start3A_7] : memref<10000x128xf32, #tpu.memory_space<hbm>> -> memref<10000x128xf32, #tpu.memory_space<hbm>>
    tpu.enqueue_indirect_dma source(%dma_start3A_8 : memref<10000x128xf32, #tpu.memory_space<hbm>>) target(%arg9 : memref<96x128xf32, #tpu.memory_space<vmem>>) offsets(%dma_start3A_5 : memref<96xi32, #tpu.memory_space<vmem>>) semaphore(%arg12 : memref<!tpu.dma_semaphore, #tpu.memory_space<semaphore_mem>>)
    %dma_start3A_9 = arith.constant 96 : i32
    %dma_start3A_10 = tpu.memref_slice %arg7[%dma_start3A_9] : memref<10176xi32, #tpu.memory_space<vmem>> -> memref<96xi32, #tpu.memory_space<vmem>>
    %dma_start3A_11 = arith.constant 0 : i32
    %dma_start3A_12 = arith.constant 0 : i32
    %dma_start3A_13 = tpu.memref_slice %arg2[%dma_start3A_11, %dma_start3A_12] : memref<10000x128xf32, #tpu.memory_space<hbm>> -> memref<10000x128xf32, #tpu.memory_space<hbm>>
    tpu.enqueue_indirect_dma source(%dma_start3A_13 : memref<10000x128xf32, #tpu.memory_space<hbm>>) target(%arg10 : memref<96x128xf32, #tpu.memory_space<vmem>>) offsets(%dma_start3A_10 : memref<96xi32, #tpu.memory_space<vmem>>) semaphore(%arg13 : memref<!tpu.dma_semaphore, #tpu.memory_space<semaphore_mem>>)
    %scan3A = arith.constant 0 : i32
    %scan3A_14 = arith.constant 0 : i32
    %scan3A_15 = arith.constant 53 : i32
    %scan3A_16 = arith.addi %scan3A_14, %scan3A_15 : i32
    %scan3A_17 = arith.constant 1 : i32
    scf.for %scan3A_24 = %scan3A_14 to %scan3A_16 step %scan3A_17  : i32 {
      %mul3A_25 = arith.constant 2 : i32
      %mul3A_26 = arith.muli %scan3A_24, %mul3A_25 : i32
      %add3A_27 = arith.constant 0 : i32
      %add3A_28 = arith.addi %mul3A_26, %add3A_27 : i32
      %mul3A_29 = arith.constant 96 : i32
      %mul3A_30 = arith.muli %add3A_28, %mul3A_29 : i32
      %dma_wait3A = tpu.memref_slice %arg7[%mul3A_30] : memref<10176xi32, #tpu.memory_space<vmem>> -> memref<96xi32, #tpu.memory_space<vmem>>
      %dma_wait3A_31 = arith.constant 0 : i32
      %dma_wait3A_32 = arith.constant 0 : i32
      %dma_wait3A_33 = tpu.memref_slice %arg2[%dma_wait3A_31, %dma_wait3A_32] : memref<10000x128xf32, #tpu.memory_space<hbm>> -> memref<10000x128xf32, #tpu.memory_space<hbm>>
      tpu.wait_indirect_dma semaphore(%arg12 : memref<!tpu.dma_semaphore, #tpu.memory_space<semaphore_mem>>) src(%dma_wait3A_33 : memref<10000x128xf32, #tpu.memory_space<hbm>>) dst(%arg9 : memref<96x128xf32, #tpu.memory_space<vmem>>)
      "tpu.region"() ({
        %run_scoped3A = tpu.sem_alloc : memref<!tpu.dma_semaphore, #tpu.memory_space<semaphore_mem>>
        %dma_start3A_55 = arith.constant 0 : i32
        %dma_start3A_56 = tpu.memref_slice %arg8[%add3A_28, %dma_start3A_55] : memref<106x96xi32, #tpu.memory_space<vmem>> -> memref<1x96xi32, #tpu.memory_space<vmem>>
        %dma_start3A_57 = tpu.memref_squeeze %dma_start3A_56 : memref<1x96xi32, #tpu.memory_space<vmem>> -> memref<96xi32, #tpu.memory_space<vmem>>
        %dma_start3A_58 = arith.constant 0 : i32
        %dma_start3A_59 = arith.constant 0 : i32
        %dma_start3A_60 = tpu.memref_slice %arg11[%dma_start3A_58, %dma_start3A_59] : memref<10112x128xf32, #tpu.memory_space<vmem_shared>> -> memref<10112x128xf32, #tpu.memory_space<vmem_shared>>
        tpu.enqueue_indirect_dma source(%arg9 : memref<96x128xf32, #tpu.memory_space<vmem>>) target(%dma_start3A_60 : memref<10112x128xf32, #tpu.memory_space<vmem_shared>>) offsets(%dma_start3A_57 : memref<96xi32, #tpu.memory_space<vmem>>) semaphore(%run_scoped3A : memref<!tpu.dma_semaphore, #tpu.memory_space<semaphore_mem>>) {add = true}
        %dma_wait3A_61 = arith.constant 0 : i32
        %dma_wait3A_62 = tpu.memref_slice %arg8[%add3A_28, %dma_wait3A_61] : memref<106x96xi32, #tpu.memory_space<vmem>> -> memref<1x96xi32, #tpu.memory_space<vmem>>
        %dma_wait3A_63 = tpu.memref_squeeze %dma_wait3A_62 : memref<1x96xi32, #tpu.memory_space<vmem>> -> memref<96xi32, #tpu.memory_space<vmem>>
        %dma_wait3A_64 = arith.constant 0 : i32
        %dma_wait3A_65 = arith.constant 0 : i32
        %dma_wait3A_66 = tpu.memref_slice %arg11[%dma_wait3A_64, %dma_wait3A_65] : memref<10112x128xf32, #tpu.memory_space<vmem_shared>> -> memref<10112x128xf32, #tpu.memory_space<vmem_shared>>
        tpu.wait_indirect_dma semaphore(%run_scoped3A : memref<!tpu.dma_semaphore, #tpu.memory_space<semaphore_mem>>) src(%arg9 : memref<96x128xf32, #tpu.memory_space<vmem>>) dst(%dma_wait3A_66 : memref<10112x128xf32, #tpu.memory_space<vmem_shared>>)
        tpu.yield
      }) : () -> ()
      %add3A_34 = arith.constant 2 : i32
      %add3A_35 = arith.addi %add3A_28, %add3A_34 : i32
      %lt3A = arith.constant 106 : i32
      %lt3A_36 = arith.cmpi slt, %add3A_35, %lt3A : i32
      %convert_element_type3A = arith.extui %lt3A_36 : i1 to i32
      %cond3A = arith.constant 0 : i32
      %cond3A_37 = arith.cmpi ne, %convert_element_type3A, %cond3A : i32
      scf.if %cond3A_37 {
        %add3A_55 = arith.constant 2 : i32
        %add3A_56 = arith.addi %add3A_28, %add3A_55 : i32
        %mul3A_57 = arith.constant 96 : i32
        %mul3A_58 = arith.muli %add3A_56, %mul3A_57 : i32
        %dma_start3A_59 = tpu.memref_slice %arg7[%mul3A_58] : memref<10176xi32, #tpu.memory_space<vmem>> -> memref<96xi32, #tpu.memory_space<vmem>>
        %dma_start3A_60 = arith.constant 0 : i32
        %dma_start3A_61 = arith.constant 0 : i32
        %dma_start3A_62 = tpu.memref_slice %arg2[%dma_start3A_60, %dma_start3A_61] : memref<10000x128xf32, #tpu.memory_space<hbm>> -> memref<10000x128xf32, #tpu.memory_space<hbm>>
        tpu.enqueue_indirect_dma source(%dma_start3A_62 : memref<10000x128xf32, #tpu.memory_space<hbm>>) target(%arg9 : memref<96x128xf32, #tpu.memory_space<vmem>>) offsets(%dma_start3A_59 : memref<96xi32, #tpu.memory_space<vmem>>) semaphore(%arg12 : memref<!tpu.dma_semaphore, #tpu.memory_space<semaphore_mem>>)
      } else {
      }
      %mul3A_38 = arith.constant 2 : i32
      %mul3A_39 = arith.muli %scan3A_24, %mul3A_38 : i32
      %add3A_40 = arith.constant 1 : i32
      %add3A_41 = arith.addi %mul3A_39, %add3A_40 : i32
      %mul3A_42 = arith.constant 96 : i32
      %mul3A_43 = arith.muli %add3A_41, %mul3A_42 : i32
      %dma_wait3A_44 = tpu.memref_slice %arg7[%mul3A_43] : memref<10176xi32, #tpu.memory_space<vmem>> -> memref<96xi32, #tpu.memory_space<vmem>>
      %dma_wait3A_45 = arith.constant 0 : i32
      %dma_wait3A_46 = arith.constant 0 : i32
      %dma_wait3A_47 = tpu.memref_slice %arg2[%dma_wait3A_45, %dma_wait3A_46] : memref<10000x128xf32, #tpu.memory_space<hbm>> -> memref<10000x128xf32, #tpu.memory_space<hbm>>
      tpu.wait_indirect_dma semaphore(%arg13 : memref<!tpu.dma_semaphore, #tpu.memory_space<semaphore_mem>>) src(%dma_wait3A_47 : memref<10000x128xf32, #tpu.memory_space<hbm>>) dst(%arg10 : memref<96x128xf32, #tpu.memory_space<vmem>>)
      "tpu.region"() ({
        %run_scoped3A = tpu.sem_alloc : memref<!tpu.dma_semaphore, #tpu.memory_space<semaphore_mem>>
        %dma_start3A_55 = arith.constant 0 : i32
        %dma_start3A_56 = tpu.memref_slice %arg8[%add3A_41, %dma_start3A_55] : memref<106x96xi32, #tpu.memory_space<vmem>> -> memref<1x96xi32, #tpu.memory_space<vmem>>
        %dma_start3A_57 = tpu.memref_squeeze %dma_start3A_56 : memref<1x96xi32, #tpu.memory_space<vmem>> -> memref<96xi32, #tpu.memory_space<vmem>>
        %dma_start3A_58 = arith.constant 0 : i32
        %dma_start3A_59 = arith.constant 0 : i32
        %dma_start3A_60 = tpu.memref_slice %arg11[%dma_start3A_58, %dma_start3A_59] : memref<10112x128xf32, #tpu.memory_space<vmem_shared>> -> memref<10112x128xf32, #tpu.memory_space<vmem_shared>>
        tpu.enqueue_indirect_dma source(%arg10 : memref<96x128xf32, #tpu.memory_space<vmem>>) target(%dma_start3A_60 : memref<10112x128xf32, #tpu.memory_space<vmem_shared>>) offsets(%dma_start3A_57 : memref<96xi32, #tpu.memory_space<vmem>>) semaphore(%run_scoped3A : memref<!tpu.dma_semaphore, #tpu.memory_space<semaphore_mem>>) {add = true}
        %dma_wait3A_61 = arith.constant 0 : i32
        %dma_wait3A_62 = tpu.memref_slice %arg8[%add3A_41, %dma_wait3A_61] : memref<106x96xi32, #tpu.memory_space<vmem>> -> memref<1x96xi32, #tpu.memory_space<vmem>>
        %dma_wait3A_63 = tpu.memref_squeeze %dma_wait3A_62 : memref<1x96xi32, #tpu.memory_space<vmem>> -> memref<96xi32, #tpu.memory_space<vmem>>
        %dma_wait3A_64 = arith.constant 0 : i32
        %dma_wait3A_65 = arith.constant 0 : i32
        %dma_wait3A_66 = tpu.memref_slice %arg11[%dma_wait3A_64, %dma_wait3A_65] : memref<10112x128xf32, #tpu.memory_space<vmem_shared>> -> memref<10112x128xf32, #tpu.memory_space<vmem_shared>>
        tpu.wait_indirect_dma semaphore(%run_scoped3A : memref<!tpu.dma_semaphore, #tpu.memory_space<semaphore_mem>>) src(%arg10 : memref<96x128xf32, #tpu.memory_space<vmem>>) dst(%dma_wait3A_66 : memref<10112x128xf32, #tpu.memory_space<vmem_shared>>)
        tpu.yield
      }) : () -> ()
      %add3A_48 = arith.constant 2 : i32
      %add3A_49 = arith.addi %add3A_41, %add3A_48 : i32
      %lt3A_50 = arith.constant 106 : i32
      %lt3A_51 = arith.cmpi slt, %add3A_49, %lt3A_50 : i32
      %convert_element_type3A_52 = arith.extui %lt3A_51 : i1 to i32
      %cond3A_53 = arith.constant 0 : i32
      %cond3A_54 = arith.cmpi ne, %convert_element_type3A_52, %cond3A_53 : i32
      scf.if %cond3A_54 {
        %add3A_55 = arith.constant 2 : i32
        %add3A_56 = arith.addi %add3A_41, %add3A_55 : i32
        %mul3A_57 = arith.constant 96 : i32
        %mul3A_58 = arith.muli %add3A_56, %mul3A_57 : i32
        %dma_start3A_59 = tpu.memref_slice %arg7[%mul3A_58] : memref<10176xi32, #tpu.memory_space<vmem>> -> memref<96xi32, #tpu.memory_space<vmem>>
        %dma_start3A_60 = arith.constant 0 : i32
        %dma_start3A_61 = arith.constant 0 : i32
        %dma_start3A_62 = tpu.memref_slice %arg2[%dma_start3A_60, %dma_start3A_61] : memref<10000x128xf32, #tpu.memory_space<hbm>> -> memref<10000x128xf32, #tpu.memory_space<hbm>>
        tpu.enqueue_indirect_dma source(%dma_start3A_62 : memref<10000x128xf32, #tpu.memory_space<hbm>>) target(%arg10 : memref<96x128xf32, #tpu.memory_space<vmem>>) offsets(%dma_start3A_59 : memref<96xi32, #tpu.memory_space<vmem>>) semaphore(%arg13 : memref<!tpu.dma_semaphore, #tpu.memory_space<semaphore_mem>>)
      } else {
      }
    }
    %scan3A_18 = arith.constant 53 : i32
    %barrier3A_19 = arith.constant 0 : index
    tpu.barrier barrier_id(%barrier3A_19)
    %mul3A_20 = arith.constant 632 : i32
    %mul3A_21 = arith.muli %arg1, %mul3A_20 : i32
    %mul3A_22 = arith.constant 632 : i32
    %mul3A_23 = arith.muli %arg1, %mul3A_22 : i32
    "tpu.region"() ({
      %run_scoped3A = tpu.sem_alloc : memref<!tpu.dma_semaphore, #tpu.memory_space<semaphore_mem>>
      %dma_start3A_24 = arith.constant 0 : i32
      %dma_start3A_25 = tpu.memref_slice %arg6[%arg0, %mul3A_23, %dma_start3A_24] : memref<2x10112x128xf32, #tpu.memory_space<hbm>> -> memref<1x632x128xf32, #tpu.memory_space<hbm>>
      %dma_start3A_26 = tpu.memref_squeeze %dma_start3A_25 : memref<1x632x128xf32, #tpu.memory_space<hbm>> -> memref<632x128xf32, #tpu.memory_space<hbm>>
      %dma_start3A_27 = arith.constant 0 : i32
      %dma_start3A_28 = tpu.memref_slice %arg11[%mul3A_21, %dma_start3A_27] : memref<10112x128xf32, #tpu.memory_space<vmem_shared>> -> memref<632x128xf32, #tpu.memory_space<vmem_shared>>
      tpu.enqueue_dma source(%dma_start3A_28 : memref<632x128xf32, #tpu.memory_space<vmem_shared>>) target(%dma_start3A_26 : memref<632x128xf32, #tpu.memory_space<hbm>>) target_semaphore(%run_scoped3A : memref<!tpu.dma_semaphore, #tpu.memory_space<semaphore_mem>>)
      %dma_wait3A = arith.constant 0 : i32
      %dma_wait3A_29 = tpu.memref_slice %arg6[%arg0, %mul3A_23, %dma_wait3A] : memref<2x10112x128xf32, #tpu.memory_space<hbm>> -> memref<1x632x128xf32, #tpu.memory_space<hbm>>
      %dma_wait3A_30 = tpu.memref_squeeze %dma_wait3A_29 : memref<1x632x128xf32, #tpu.memory_space<hbm>> -> memref<632x128xf32, #tpu.memory_space<hbm>>
      %dma_wait3A_31 = arith.constant 0 : i32
      %dma_wait3A_32 = tpu.memref_slice %arg11[%mul3A_21, %dma_wait3A_31] : memref<10112x128xf32, #tpu.memory_space<vmem_shared>> -> memref<632x128xf32, #tpu.memory_space<vmem_shared>>
      tpu.wait_dma2 semaphore(%run_scoped3A : memref<!tpu.dma_semaphore, #tpu.memory_space<semaphore_mem>>) src(%dma_wait3A_32 : memref<632x128xf32, #tpu.memory_space<vmem_shared>>) dst(%dma_wait3A_30 : memref<632x128xf32, #tpu.memory_space<hbm>>)
      tpu.yield
    }) : () -> ()
    return
  }
}

#map = affine_map<(d0, d1) -> (0, 0)>
#map1 = affine_map<(d0, d1) -> (0, 0, 0)>
module attributes {stable_mosaic.version = 14 : i64} {
  func.func @_edge_kernel(%arg0: i32, %arg1: i32, %arg2: memref<10000x128xf32, #tpu.memory_space<hbm>>, %arg3: memref<32x10176xi32, #tpu.memory_space<hbm>>, %arg4: memref<32x106x96xi32, #tpu.memory_space<hbm>>, %arg5: memref<632x128xf32, #tpu.memory_space<hbm>>, %arg6: memref<2x10112x128xf32, #tpu.memory_space<hbm>>, %arg7: memref<10176xi32, #tpu.memory_space<vmem>>, %arg8: memref<106x96xi32, #tpu.memory_space<vmem>>, %arg9: memref<96x128xf32, #tpu.memory_space<vmem>>, %arg10: memref<96x128xf32, #tpu.memory_space<vmem>>, %arg11: memref<10112x128xf32, #tpu.memory_space<vmem_shared>>, %arg12: memref<!tpu.dma_semaphore, #tpu.memory_space<semaphore_mem>>, %arg13: memref<!tpu.dma_semaphore, #tpu.memory_space<semaphore_mem>>) attributes {dimension_semantics = [#tpu.dimension_semantics<core_parallel>, #tpu.dimension_semantics<subcore_parallel>], iteration_bounds = array<i64: 2, 16>, scalar_prefetch = 0 : i64, scratch_operands = 7 : i64, tpu.core_type = #tpu.core_type<sc_vector_subcore>, window_params = [{transform_indices = #map}, {transform_indices = #map}, {transform_indices = #map1}, {transform_indices = #map}, {transform_indices = #map1}]} {
    %mul3A = arith.constant 16 : i32
    %mul3A_0 = arith.muli %arg0, %mul3A : i32
    %add3A = arith.addi %mul3A_0, %arg1 : i32
    %mul3A_1 = arith.constant 632 : i32
    %mul3A_2 = arith.muli %arg1, %mul3A_1 : i32
    %add3A_3 = arith.constant 0 : i32
    %add3A_4 = arith.addi %mul3A_2, %add3A_3 : i32
    "tpu.region"() ({
      %run_scoped3A = tpu.sem_alloc : memref<!tpu.dma_semaphore, #tpu.memory_space<semaphore_mem>>
      %dma_start3A_24 = arith.constant 0 : i32
      %dma_start3A_25 = tpu.memref_slice %arg11[%add3A_4, %dma_start3A_24] : memref<10112x128xf32, #tpu.memory_space<vmem_shared>> -> memref<632x128xf32, #tpu.memory_space<vmem_shared>>
      tpu.enqueue_dma source(%arg5 : memref<632x128xf32, #tpu.memory_space<hbm>>) target(%dma_start3A_25 : memref<632x128xf32, #tpu.memory_space<vmem_shared>>) target_semaphore(%run_scoped3A : memref<!tpu.dma_semaphore, #tpu.memory_space<semaphore_mem>>)
      %dma_wait3A = arith.constant 0 : i32
      %dma_wait3A_26 = tpu.memref_slice %arg11[%add3A_4, %dma_wait3A] : memref<10112x128xf32, #tpu.memory_space<vmem_shared>> -> memref<632x128xf32, #tpu.memory_space<vmem_shared>>
      tpu.wait_dma2 semaphore(%run_scoped3A : memref<!tpu.dma_semaphore, #tpu.memory_space<semaphore_mem>>) src(%arg5 : memref<632x128xf32, #tpu.memory_space<hbm>>) dst(%dma_wait3A_26 : memref<632x128xf32, #tpu.memory_space<vmem_shared>>)
      tpu.yield
    }) : () -> ()
    "tpu.region"() ({
      %run_scoped3A = tpu.sem_alloc : memref<!tpu.dma_semaphore, #tpu.memory_space<semaphore_mem>>
      %dma_start3A_24 = arith.constant 0 : i32
      %dma_start3A_25 = tpu.memref_slice %arg3[%add3A, %dma_start3A_24] : memref<32x10176xi32, #tpu.memory_space<hbm>> -> memref<1x10176xi32, #tpu.memory_space<hbm>>
      %dma_start3A_26 = tpu.memref_squeeze %dma_start3A_25 : memref<1x10176xi32, #tpu.memory_space<hbm>> -> memref<10176xi32, #tpu.memory_space<hbm>>
      %dma_start3A_27 = arith.constant 0 : i32
      %dma_start3A_28 = tpu.memref_slice %arg3[%add3A, %dma_start3A_27] : memref<32x10176xi32, #tpu.memory_space<hbm>> -> memref<1x10176xi32, #tpu.memory_space<hbm>>
      %dma_start3A_29 = tpu.memref_squeeze %dma_start3A_28 : memref<1x10176xi32, #tpu.memory_space<hbm>> -> memref<10176xi32, #tpu.memory_space<hbm>>
      tpu.enqueue_dma source(%dma_start3A_29 : memref<10176xi32, #tpu.memory_space<hbm>>) target(%arg7 : memref<10176xi32, #tpu.memory_space<vmem>>) target_semaphore(%run_scoped3A : memref<!tpu.dma_semaphore, #tpu.memory_space<semaphore_mem>>)
      %dma_wait3A = arith.constant 0 : i32
      %dma_wait3A_30 = tpu.memref_slice %arg3[%add3A, %dma_wait3A] : memref<32x10176xi32, #tpu.memory_space<hbm>> -> memref<1x10176xi32, #tpu.memory_space<hbm>>
      %dma_wait3A_31 = tpu.memref_squeeze %dma_wait3A_30 : memref<1x10176xi32, #tpu.memory_space<hbm>> -> memref<10176xi32, #tpu.memory_space<hbm>>
      %dma_wait3A_32 = arith.constant 0 : i32
      %dma_wait3A_33 = tpu.memref_slice %arg3[%add3A, %dma_wait3A_32] : memref<32x10176xi32, #tpu.memory_space<hbm>> -> memref<1x10176xi32, #tpu.memory_space<hbm>>
      %dma_wait3A_34 = tpu.memref_squeeze %dma_wait3A_33 : memref<1x10176xi32, #tpu.memory_space<hbm>> -> memref<10176xi32, #tpu.memory_space<hbm>>
      tpu.wait_dma2 semaphore(%run_scoped3A : memref<!tpu.dma_semaphore, #tpu.memory_space<semaphore_mem>>) src(%dma_wait3A_34 : memref<10176xi32, #tpu.memory_space<hbm>>) dst(%arg7 : memref<10176xi32, #tpu.memory_space<vmem>>)
      tpu.yield
    }) : () -> ()
    "tpu.region"() ({
      %run_scoped3A = tpu.sem_alloc : memref<!tpu.dma_semaphore, #tpu.memory_space<semaphore_mem>>
      %dma_start3A_24 = arith.constant 0 : i32
      %dma_start3A_25 = arith.constant 0 : i32
      %dma_start3A_26 = tpu.memref_slice %arg4[%add3A, %dma_start3A_24, %dma_start3A_25] : memref<32x106x96xi32, #tpu.memory_space<hbm>> -> memref<1x106x96xi32, #tpu.memory_space<hbm>>
      %dma_start3A_27 = tpu.memref_squeeze %dma_start3A_26 : memref<1x106x96xi32, #tpu.memory_space<hbm>> -> memref<106x96xi32, #tpu.memory_space<hbm>>
      %dma_start3A_28 = arith.constant 0 : i32
      %dma_start3A_29 = arith.constant 0 : i32
      %dma_start3A_30 = tpu.memref_slice %arg4[%add3A, %dma_start3A_28, %dma_start3A_29] : memref<32x106x96xi32, #tpu.memory_space<hbm>> -> memref<1x106x96xi32, #tpu.memory_space<hbm>>
      %dma_start3A_31 = tpu.memref_squeeze %dma_start3A_30 : memref<1x106x96xi32, #tpu.memory_space<hbm>> -> memref<106x96xi32, #tpu.memory_space<hbm>>
      tpu.enqueue_dma source(%dma_start3A_31 : memref<106x96xi32, #tpu.memory_space<hbm>>) target(%arg8 : memref<106x96xi32, #tpu.memory_space<vmem>>) target_semaphore(%run_scoped3A : memref<!tpu.dma_semaphore, #tpu.memory_space<semaphore_mem>>)
      %dma_wait3A = arith.constant 0 : i32
      %dma_wait3A_32 = arith.constant 0 : i32
      %dma_wait3A_33 = tpu.memref_slice %arg4[%add3A, %dma_wait3A, %dma_wait3A_32] : memref<32x106x96xi32, #tpu.memory_space<hbm>> -> memref<1x106x96xi32, #tpu.memory_space<hbm>>
      %dma_wait3A_34 = tpu.memref_squeeze %dma_wait3A_33 : memref<1x106x96xi32, #tpu.memory_space<hbm>> -> memref<106x96xi32, #tpu.memory_space<hbm>>
      %dma_wait3A_35 = arith.constant 0 : i32
      %dma_wait3A_36 = arith.constant 0 : i32
      %dma_wait3A_37 = tpu.memref_slice %arg4[%add3A, %dma_wait3A_35, %dma_wait3A_36] : memref<32x106x96xi32, #tpu.memory_space<hbm>> -> memref<1x106x96xi32, #tpu.memory_space<hbm>>
      %dma_wait3A_38 = tpu.memref_squeeze %dma_wait3A_37 : memref<1x106x96xi32, #tpu.memory_space<hbm>> -> memref<106x96xi32, #tpu.memory_space<hbm>>
      tpu.wait_dma2 semaphore(%run_scoped3A : memref<!tpu.dma_semaphore, #tpu.memory_space<semaphore_mem>>) src(%dma_wait3A_38 : memref<106x96xi32, #tpu.memory_space<hbm>>) dst(%arg8 : memref<106x96xi32, #tpu.memory_space<vmem>>)
      tpu.yield
    }) : () -> ()
    %barrier3A = arith.constant 0 : index
    tpu.barrier barrier_id(%barrier3A)
    %dma_start3A = arith.constant 0 : i32
    %dma_start3A_5 = tpu.memref_slice %arg7[%dma_start3A] : memref<10176xi32, #tpu.memory_space<vmem>> -> memref<96xi32, #tpu.memory_space<vmem>>
    %dma_start3A_6 = arith.constant 0 : i32
    %dma_start3A_7 = arith.constant 0 : i32
    %dma_start3A_8 = tpu.memref_slice %arg2[%dma_start3A_6, %dma_start3A_7] : memref<10000x128xf32, #tpu.memory_space<hbm>> -> memref<10000x128xf32, #tpu.memory_space<hbm>>
    tpu.enqueue_indirect_dma source(%dma_start3A_8 : memref<10000x128xf32, #tpu.memory_space<hbm>>) target(%arg9 : memref<96x128xf32, #tpu.memory_space<vmem>>) offsets(%dma_start3A_5 : memref<96xi32, #tpu.memory_space<vmem>>) semaphore(%arg12 : memref<!tpu.dma_semaphore, #tpu.memory_space<semaphore_mem>>)
    %dma_start3A_9 = arith.constant 96 : i32
    %dma_start3A_10 = tpu.memref_slice %arg7[%dma_start3A_9] : memref<10176xi32, #tpu.memory_space<vmem>> -> memref<96xi32, #tpu.memory_space<vmem>>
    %dma_start3A_11 = arith.constant 0 : i32
    %dma_start3A_12 = arith.constant 0 : i32
    %dma_start3A_13 = tpu.memref_slice %arg2[%dma_start3A_11, %dma_start3A_12] : memref<10000x128xf32, #tpu.memory_space<hbm>> -> memref<10000x128xf32, #tpu.memory_space<hbm>>
    tpu.enqueue_indirect_dma source(%dma_start3A_13 : memref<10000x128xf32, #tpu.memory_space<hbm>>) target(%arg10 : memref<96x128xf32, #tpu.memory_space<vmem>>) offsets(%dma_start3A_10 : memref<96xi32, #tpu.memory_space<vmem>>) semaphore(%arg13 : memref<!tpu.dma_semaphore, #tpu.memory_space<semaphore_mem>>)
    %scan3A = arith.constant 0 : i32
    %scan3A_14 = arith.constant 0 : i32
    %scan3A_15 = arith.constant 53 : i32
    %scan3A_16 = arith.addi %scan3A_14, %scan3A_15 : i32
    %scan3A_17 = arith.constant 1 : i32
    scf.for %scan3A_24 = %scan3A_14 to %scan3A_16 step %scan3A_17  : i32 {
      %mul3A_25 = arith.constant 2 : i32
      %mul3A_26 = arith.muli %scan3A_24, %mul3A_25 : i32
      %add3A_27 = arith.constant 0 : i32
      %add3A_28 = arith.addi %mul3A_26, %add3A_27 : i32
      %mul3A_29 = arith.constant 96 : i32
      %mul3A_30 = arith.muli %add3A_28, %mul3A_29 : i32
      %dma_wait3A = tpu.memref_slice %arg7[%mul3A_30] : memref<10176xi32, #tpu.memory_space<vmem>> -> memref<96xi32, #tpu.memory_space<vmem>>
      %dma_wait3A_31 = arith.constant 0 : i32
      %dma_wait3A_32 = arith.constant 0 : i32
      %dma_wait3A_33 = tpu.memref_slice %arg2[%dma_wait3A_31, %dma_wait3A_32] : memref<10000x128xf32, #tpu.memory_space<hbm>> -> memref<10000x128xf32, #tpu.memory_space<hbm>>
      tpu.wait_indirect_dma semaphore(%arg12 : memref<!tpu.dma_semaphore, #tpu.memory_space<semaphore_mem>>) src(%dma_wait3A_33 : memref<10000x128xf32, #tpu.memory_space<hbm>>) dst(%arg9 : memref<96x128xf32, #tpu.memory_space<vmem>>)
      "tpu.region"() ({
        %run_scoped3A = tpu.sem_alloc : memref<!tpu.dma_semaphore, #tpu.memory_space<semaphore_mem>>
        %dma_start3A_55 = arith.constant 0 : i32
        %dma_start3A_56 = tpu.memref_slice %arg8[%add3A_28, %dma_start3A_55] : memref<106x96xi32, #tpu.memory_space<vmem>> -> memref<1x96xi32, #tpu.memory_space<vmem>>
        %dma_start3A_57 = tpu.memref_squeeze %dma_start3A_56 : memref<1x96xi32, #tpu.memory_space<vmem>> -> memref<96xi32, #tpu.memory_space<vmem>>
        %dma_start3A_58 = arith.constant 0 : i32
        %dma_start3A_59 = arith.constant 0 : i32
        %dma_start3A_60 = tpu.memref_slice %arg11[%dma_start3A_58, %dma_start3A_59] : memref<10112x128xf32, #tpu.memory_space<vmem_shared>> -> memref<10112x128xf32, #tpu.memory_space<vmem_shared>>
        tpu.enqueue_indirect_dma source(%arg9 : memref<96x128xf32, #tpu.memory_space<vmem>>) target(%dma_start3A_60 : memref<10112x128xf32, #tpu.memory_space<vmem_shared>>) offsets(%dma_start3A_57 : memref<96xi32, #tpu.memory_space<vmem>>) semaphore(%run_scoped3A : memref<!tpu.dma_semaphore, #tpu.memory_space<semaphore_mem>>) {add = true}
        %dma_wait3A_61 = arith.constant 0 : i32
        %dma_wait3A_62 = tpu.memref_slice %arg8[%add3A_28, %dma_wait3A_61] : memref<106x96xi32, #tpu.memory_space<vmem>> -> memref<1x96xi32, #tpu.memory_space<vmem>>
        %dma_wait3A_63 = tpu.memref_squeeze %dma_wait3A_62 : memref<1x96xi32, #tpu.memory_space<vmem>> -> memref<96xi32, #tpu.memory_space<vmem>>
        %dma_wait3A_64 = arith.constant 0 : i32
        %dma_wait3A_65 = arith.constant 0 : i32
        %dma_wait3A_66 = tpu.memref_slice %arg11[%dma_wait3A_64, %dma_wait3A_65] : memref<10112x128xf32, #tpu.memory_space<vmem_shared>> -> memref<10112x128xf32, #tpu.memory_space<vmem_shared>>
        tpu.wait_indirect_dma semaphore(%run_scoped3A : memref<!tpu.dma_semaphore, #tpu.memory_space<semaphore_mem>>) src(%arg9 : memref<96x128xf32, #tpu.memory_space<vmem>>) dst(%dma_wait3A_66 : memref<10112x128xf32, #tpu.memory_space<vmem_shared>>)
        tpu.yield
      }) : () -> ()
      %add3A_34 = arith.constant 2 : i32
      %add3A_35 = arith.addi %add3A_28, %add3A_34 : i32
      %lt3A = arith.constant 106 : i32
      %lt3A_36 = arith.cmpi slt, %add3A_35, %lt3A : i32
      %convert_element_type3A = arith.extui %lt3A_36 : i1 to i32
      %cond3A = arith.constant 0 : i32
      %cond3A_37 = arith.cmpi ne, %convert_element_type3A, %cond3A : i32
      scf.if %cond3A_37 {
        %add3A_55 = arith.constant 2 : i32
        %add3A_56 = arith.addi %add3A_28, %add3A_55 : i32
        %mul3A_57 = arith.constant 96 : i32
        %mul3A_58 = arith.muli %add3A_56, %mul3A_57 : i32
        %dma_start3A_59 = tpu.memref_slice %arg7[%mul3A_58] : memref<10176xi32, #tpu.memory_space<vmem>> -> memref<96xi32, #tpu.memory_space<vmem>>
        %dma_start3A_60 = arith.constant 0 : i32
        %dma_start3A_61 = arith.constant 0 : i32
        %dma_start3A_62 = tpu.memref_slice %arg2[%dma_start3A_60, %dma_start3A_61] : memref<10000x128xf32, #tpu.memory_space<hbm>> -> memref<10000x128xf32, #tpu.memory_space<hbm>>
        tpu.enqueue_indirect_dma source(%dma_start3A_62 : memref<10000x128xf32, #tpu.memory_space<hbm>>) target(%arg9 : memref<96x128xf32, #tpu.memory_space<vmem>>) offsets(%dma_start3A_59 : memref<96xi32, #tpu.memory_space<vmem>>) semaphore(%arg12 : memref<!tpu.dma_semaphore, #tpu.memory_space<semaphore_mem>>)
      } else {
      }
      %mul3A_38 = arith.constant 2 : i32
      %mul3A_39 = arith.muli %scan3A_24, %mul3A_38 : i32
      %add3A_40 = arith.constant 1 : i32
      %add3A_41 = arith.addi %mul3A_39, %add3A_40 : i32
      %mul3A_42 = arith.constant 96 : i32
      %mul3A_43 = arith.muli %add3A_41, %mul3A_42 : i32
      %dma_wait3A_44 = tpu.memref_slice %arg7[%mul3A_43] : memref<10176xi32, #tpu.memory_space<vmem>> -> memref<96xi32, #tpu.memory_space<vmem>>
      %dma_wait3A_45 = arith.constant 0 : i32
      %dma_wait3A_46 = arith.constant 0 : i32
      %dma_wait3A_47 = tpu.memref_slice %arg2[%dma_wait3A_45, %dma_wait3A_46] : memref<10000x128xf32, #tpu.memory_space<hbm>> -> memref<10000x128xf32, #tpu.memory_space<hbm>>
      tpu.wait_indirect_dma semaphore(%arg13 : memref<!tpu.dma_semaphore, #tpu.memory_space<semaphore_mem>>) src(%dma_wait3A_47 : memref<10000x128xf32, #tpu.memory_space<hbm>>) dst(%arg10 : memref<96x128xf32, #tpu.memory_space<vmem>>)
      "tpu.region"() ({
        %run_scoped3A = tpu.sem_alloc : memref<!tpu.dma_semaphore, #tpu.memory_space<semaphore_mem>>
        %dma_start3A_55 = arith.constant 0 : i32
        %dma_start3A_56 = tpu.memref_slice %arg8[%add3A_41, %dma_start3A_55] : memref<106x96xi32, #tpu.memory_space<vmem>> -> memref<1x96xi32, #tpu.memory_space<vmem>>
        %dma_start3A_57 = tpu.memref_squeeze %dma_start3A_56 : memref<1x96xi32, #tpu.memory_space<vmem>> -> memref<96xi32, #tpu.memory_space<vmem>>
        %dma_start3A_58 = arith.constant 0 : i32
        %dma_start3A_59 = arith.constant 0 : i32
        %dma_start3A_60 = tpu.memref_slice %arg11[%dma_start3A_58, %dma_start3A_59] : memref<10112x128xf32, #tpu.memory_space<vmem_shared>> -> memref<10112x128xf32, #tpu.memory_space<vmem_shared>>
        tpu.enqueue_indirect_dma source(%arg10 : memref<96x128xf32, #tpu.memory_space<vmem>>) target(%dma_start3A_60 : memref<10112x128xf32, #tpu.memory_space<vmem_shared>>) offsets(%dma_start3A_57 : memref<96xi32, #tpu.memory_space<vmem>>) semaphore(%run_scoped3A : memref<!tpu.dma_semaphore, #tpu.memory_space<semaphore_mem>>) {add = true}
        %dma_wait3A_61 = arith.constant 0 : i32
        %dma_wait3A_62 = tpu.memref_slice %arg8[%add3A_41, %dma_wait3A_61] : memref<106x96xi32, #tpu.memory_space<vmem>> -> memref<1x96xi32, #tpu.memory_space<vmem>>
        %dma_wait3A_63 = tpu.memref_squeeze %dma_wait3A_62 : memref<1x96xi32, #tpu.memory_space<vmem>> -> memref<96xi32, #tpu.memory_space<vmem>>
        %dma_wait3A_64 = arith.constant 0 : i32
        %dma_wait3A_65 = arith.constant 0 : i32
        %dma_wait3A_66 = tpu.memref_slice %arg11[%dma_wait3A_64, %dma_wait3A_65] : memref<10112x128xf32, #tpu.memory_space<vmem_shared>> -> memref<10112x128xf32, #tpu.memory_space<vmem_shared>>
        tpu.wait_indirect_dma semaphore(%run_scoped3A : memref<!tpu.dma_semaphore, #tpu.memory_space<semaphore_mem>>) src(%arg10 : memref<96x128xf32, #tpu.memory_space<vmem>>) dst(%dma_wait3A_66 : memref<10112x128xf32, #tpu.memory_space<vmem_shared>>)
        tpu.yield
      }) : () -> ()
      %add3A_48 = arith.constant 2 : i32
      %add3A_49 = arith.addi %add3A_41, %add3A_48 : i32
      %lt3A_50 = arith.constant 106 : i32
      %lt3A_51 = arith.cmpi slt, %add3A_49, %lt3A_50 : i32
      %convert_element_type3A_52 = arith.extui %lt3A_51 : i1 to i32
      %cond3A_53 = arith.constant 0 : i32
      %cond3A_54 = arith.cmpi ne, %convert_element_type3A_52, %cond3A_53 : i32
      scf.if %cond3A_54 {
        %add3A_55 = arith.constant 2 : i32
        %add3A_56 = arith.addi %add3A_41, %add3A_55 : i32
        %mul3A_57 = arith.constant 96 : i32
        %mul3A_58 = arith.muli %add3A_56, %mul3A_57 : i32
        %dma_start3A_59 = tpu.memref_slice %arg7[%mul3A_58] : memref<10176xi32, #tpu.memory_space<vmem>> -> memref<96xi32, #tpu.memory_space<vmem>>
        %dma_start3A_60 = arith.constant 0 : i32
        %dma_start3A_61 = arith.constant 0 : i32
        %dma_start3A_62 = tpu.memref_slice %arg2[%dma_start3A_60, %dma_start3A_61] : memref<10000x128xf32, #tpu.memory_space<hbm>> -> memref<10000x128xf32, #tpu.memory_space<hbm>>
        tpu.enqueue_indirect_dma source(%dma_start3A_62 : memref<10000x128xf32, #tpu.memory_space<hbm>>) target(%arg10 : memref<96x128xf32, #tpu.memory_space<vmem>>) offsets(%dma_start3A_59 : memref<96xi32, #tpu.memory_space<vmem>>) semaphore(%arg13 : memref<!tpu.dma_semaphore, #tpu.memory_space<semaphore_mem>>)
      } else {
      }
    }
    %scan3A_18 = arith.constant 53 : i32
    %barrier3A_19 = arith.constant 0 : index
    tpu.barrier barrier_id(%barrier3A_19)
    %mul3A_20 = arith.constant 632 : i32
    %mul3A_21 = arith.muli %arg1, %mul3A_20 : i32
    %mul3A_22 = arith.constant 632 : i32
    %mul3A_23 = arith.muli %arg1, %mul3A_22 : i32
    "tpu.region"() ({
      %run_scoped3A = tpu.sem_alloc : memref<!tpu.dma_semaphore, #tpu.memory_space<semaphore_mem>>
      %dma_start3A_24 = arith.constant 0 : i32
      %dma_start3A_25 = tpu.memref_slice %arg6[%arg0, %mul3A_23, %dma_start3A_24] : memref<2x10112x128xf32, #tpu.memory_space<hbm>> -> memref<1x632x128xf32, #tpu.memory_space<hbm>>
      %dma_start3A_26 = tpu.memref_squeeze %dma_start3A_25 : memref<1x632x128xf32, #tpu.memory_space<hbm>> -> memref<632x128xf32, #tpu.memory_space<hbm>>
      %dma_start3A_27 = arith.constant 0 : i32
      %dma_start3A_28 = tpu.memref_slice %arg11[%mul3A_21, %dma_start3A_27] : memref<10112x128xf32, #tpu.memory_space<vmem_shared>> -> memref<632x128xf32, #tpu.memory_space<vmem_shared>>
      tpu.enqueue_dma source(%dma_start3A_28 : memref<632x128xf32, #tpu.memory_space<vmem_shared>>) target(%dma_start3A_26 : memref<632x128xf32, #tpu.memory_space<hbm>>) target_semaphore(%run_scoped3A : memref<!tpu.dma_semaphore, #tpu.memory_space<semaphore_mem>>)
      %dma_wait3A = arith.constant 0 : i32
      %dma_wait3A_29 = tpu.memref_slice %arg6[%arg0, %mul3A_23, %dma_wait3A] : memref<2x10112x128xf32, #tpu.memory_space<hbm>> -> memref<1x632x128xf32, #tpu.memory_space<hbm>>
      %dma_wait3A_30 = tpu.memref_squeeze %dma_wait3A_29 : memref<1x632x128xf32, #tpu.memory_space<hbm>> -> memref<632x128xf32, #tpu.memory_space<hbm>>
      %dma_wait3A_31 = arith.constant 0 : i32
      %dma_wait3A_32 = tpu.memref_slice %arg11[%mul3A_21, %dma_wait3A_31] : memref<10112x128xf32, #tpu.memory_space<vmem_shared>> -> memref<632x128xf32, #tpu.memory_space<vmem_shared>>
      tpu.wait_dma2 semaphore(%run_scoped3A : memref<!tpu.dma_semaphore, #tpu.memory_space<semaphore_mem>>) src(%dma_wait3A_32 : memref<632x128xf32, #tpu.memory_space<vmem_shared>>) dst(%dma_wait3A_30 : memref<632x128xf32, #tpu.memory_space<hbm>>)
      tpu.yield
    }) : () -> ()
    return
  }
}

module attributes {stable_mosaic.version = 14 : i64} {
  func.func @_tc1_body(%arg0: i32, %arg1: memref<1000x128xf32, #tpu.memory_space<vmem>>, %arg2: memref<128x128xf32, #tpu.memory_space<vmem>>, %arg3: memref<1000x1xf32, #tpu.memory_space<vmem>>, %arg4: memref<1000x1xf32, #tpu.memory_space<vmem>>, %arg5: memref<1000x128xf32, #tpu.memory_space<vmem>>, %arg6: memref<1000x1xf32, #tpu.memory_space<vmem>>) attributes {dimension_semantics = [#tpu.dimension_semantics<arbitrary>], iteration_bounds = array<i64: 10>, scalar_prefetch = 0 : i64, scratch_operands = 0 : i64, tpu.core_type = #tpu.core_type<tc>, window_params = [{transform_indices = @transform_0, window_bounds = array<i64: 1000, 128>}, {pipeline_mode = #tpu.pipeline_mode<synchronous>, transform_indices = @transform_1, window_bounds = array<i64: 128, 128>}, {transform_indices = @transform_2, window_bounds = array<i64: 1000, 1>}, {transform_indices = @transform_3, window_bounds = array<i64: 1000, 1>}, {transform_indices = @transform_4, window_bounds = array<i64: 1000, 128>}, {transform_indices = @transform_5, window_bounds = array<i64: 1000, 1>}]} {
    %get3A = arith.constant 0 : index
    %get3A_0 = arith.constant 0 : index
    %get3A_1 = vector.load %arg3[%get3A, %get3A_0] : memref<1000x1xf32, #tpu.memory_space<vmem>>, vector<1000x1xf32>
    %get3A_2 = arith.constant 0 : index
    %get3A_3 = arith.constant 0 : index
    %get3A_4 = vector.load %arg4[%get3A_2, %get3A_3] : memref<1000x1xf32, #tpu.memory_space<vmem>>, vector<1000x1xf32>
    %add3A = arith.addf %get3A_1, %get3A_4 : vector<1000x1xf32>
    %add3A_5 = arith.constant 1.000000e+00 : f32
    %add3A_6 = vector.broadcast %add3A_5 : f32 to vector<1000x1xf32>
    %add3A_7 = arith.addf %add3A, %add3A_6 : vector<1000x1xf32>
    %rsqrt3A = math.rsqrt %add3A_7 : vector<1000x1xf32>
    %get3A_8 = arith.constant 0 : index
    %get3A_9 = arith.constant 0 : index
    %get3A_10 = vector.load %arg1[%get3A_8, %get3A_9] : memref<1000x128xf32, #tpu.memory_space<vmem>>, vector<1000x128xf32>
    %get3A_11 = arith.constant 0 : index
    %get3A_12 = arith.constant 0 : index
    %get3A_13 = vector.load %arg2[%get3A_11, %get3A_12] : memref<128x128xf32, #tpu.memory_space<vmem>>, vector<128x128xf32>
    %dot_general3A = arith.constant dense<0.000000e+00> : vector<1000x128xf32>
    %dot_general3A_14 = tpu.matmul %get3A_10, %get3A_13, %dot_general3A {dimension_numbers = #tpu.dot_dimension_numbers<[1], [0], [0], [1], [0, 0, 1, 1], [], []>, transpose_lhs_hint = false} : vector<1000x128xf32>, vector<128x128xf32>, vector<1000x128xf32> -> vector<1000x128xf32>
    %mul3A = vector.broadcast %rsqrt3A : vector<1000x1xf32> to vector<1000x128xf32>
    %mul3A_15 = arith.mulf %dot_general3A_14, %mul3A : vector<1000x128xf32>
    %swap3A = arith.constant 0 : index
    %swap3A_16 = arith.constant 0 : index
    %swap3A_17 = vector.load %arg5[%swap3A, %swap3A_16] : memref<1000x128xf32, #tpu.memory_space<vmem>>, vector<1000x128xf32>
    tpu.vector_store %arg5[%swap3A, %swap3A_16], %mul3A_15 {strides = array<i32>} : memref<1000x128xf32, #tpu.memory_space<vmem>>, vector<1000x128xf32>,
    %swap3A_18 = arith.constant 0 : index
    %swap3A_19 = arith.constant 0 : index
    %swap3A_20 = vector.load %arg6[%swap3A_18, %swap3A_19] : memref<1000x1xf32, #tpu.memory_space<vmem>>, vector<1000x1xf32>
    tpu.vector_store %arg6[%swap3A_18, %swap3A_19], %rsqrt3A {strides = array<i32>} : memref<1000x1xf32, #tpu.memory_space<vmem>>, vector<1000x1xf32>,
    return
  }
  func.func @transform_0(%arg0: i32) -> (i32, i32) {
    %c0_i32 = arith.constant 0 : i32
    %c0_i32_0 = arith.constant 0 : i32
    return %arg0, %c0_i32 : i32, i32
  }
  func.func @transform_1(%arg0: i32) -> (i32, i32) {
    %c0_i32 = arith.constant 0 : i32
    %c0_i32_0 = arith.constant 0 : i32
    %c0_i32_1 = arith.constant 0 : i32
    return %c0_i32, %c0_i32_0 : i32, i32
  }
  func.func @transform_2(%arg0: i32) -> (i32, i32) {
    %c0_i32 = arith.constant 0 : i32
    %c0_i32_0 = arith.constant 0 : i32
    return %arg0, %c0_i32 : i32, i32
  }
  func.func @transform_3(%arg0: i32) -> (i32, i32) {
    %c0_i32 = arith.constant 0 : i32
    %c0_i32_0 = arith.constant 0 : i32
    return %arg0, %c0_i32 : i32, i32
  }
  func.func @transform_4(%arg0: i32) -> (i32, i32) {
    %c0_i32 = arith.constant 0 : i32
    %c0_i32_0 = arith.constant 0 : i32
    return %arg0, %c0_i32 : i32, i32
  }
  func.func @transform_5(%arg0: i32) -> (i32, i32) {
    %c0_i32 = arith.constant 0 : i32
    %c0_i32_0 = arith.constant 0 : i32
    return %arg0, %c0_i32 : i32, i32
  }
}

module attributes {stable_mosaic.version = 14 : i64} {
  func.func @_tc2_body(%arg0: i32, %arg1: memref<1000x128xf32, #tpu.memory_space<vmem>>, %arg2: memref<1000x128xf32, #tpu.memory_space<vmem>>, %arg3: memref<1000x128xf32, #tpu.memory_space<vmem>>, %arg4: memref<1000x1xf32, #tpu.memory_space<vmem>>, %arg5: memref<1x128xf32, #tpu.memory_space<vmem>>, %arg6: memref<128x128xf32, #tpu.memory_space<vmem>>, %arg7: memref<1000x128xf32, #tpu.memory_space<vmem>>, %arg8: memref<1000x128xf32, #tpu.memory_space<vmem>>) attributes {dimension_semantics = [#tpu.dimension_semantics<arbitrary>], iteration_bounds = array<i64: 10>, scalar_prefetch = 0 : i64, scratch_operands = 0 : i64, tpu.core_type = #tpu.core_type<tc>, window_params = [{transform_indices = @transform_0, window_bounds = array<i64: 1000, 128>}, {transform_indices = @transform_1, window_bounds = array<i64: 1000, 128>}, {transform_indices = @transform_2, window_bounds = array<i64: 1000, 128>}, {transform_indices = @transform_3, window_bounds = array<i64: 1000, 1>}, {pipeline_mode = #tpu.pipeline_mode<synchronous>, transform_indices = @transform_4, window_bounds = array<i64: 1, 128>}, {pipeline_mode = #tpu.pipeline_mode<synchronous>, transform_indices = @transform_5, window_bounds = array<i64: 128, 128>}, {transform_indices = @transform_6, window_bounds = array<i64: 1000, 128>}, {transform_indices = @transform_7, window_bounds = array<i64: 1000, 128>}]} {
    %get3A = arith.constant 0 : index
    %get3A_0 = arith.constant 0 : index
    %get3A_1 = vector.load %arg4[%get3A, %get3A_0] : memref<1000x1xf32, #tpu.memory_space<vmem>>, vector<1000x1xf32>
    %get3A_2 = arith.constant 0 : index
    %get3A_3 = arith.constant 0 : index
    %get3A_4 = vector.load %arg1[%get3A_2, %get3A_3] : memref<1000x128xf32, #tpu.memory_space<vmem>>, vector<1000x128xf32>
    %get3A_5 = arith.constant 0 : index
    %get3A_6 = arith.constant 0 : index
    %get3A_7 = vector.load %arg2[%get3A_5, %get3A_6] : memref<1000x128xf32, #tpu.memory_space<vmem>>, vector<1000x128xf32>
    %add3A = arith.addf %get3A_4, %get3A_7 : vector<1000x128xf32>
    %get3A_8 = arith.constant 0 : index
    %get3A_9 = arith.constant 0 : index
    %get3A_10 = vector.load %arg3[%get3A_8, %get3A_9] : memref<1000x128xf32, #tpu.memory_space<vmem>>, vector<1000x128xf32>
    %add3A_11 = arith.addf %add3A, %get3A_10 : vector<1000x128xf32>
    %mul3A = vector.broadcast %get3A_1 : vector<1000x1xf32> to vector<1000x128xf32>
    %mul3A_12 = arith.mulf %add3A_11, %mul3A : vector<1000x128xf32>
    %get3A_13 = arith.constant 0 : index
    %get3A_14 = arith.constant 0 : index
    %get3A_15 = vector.load %arg5[%get3A_13, %get3A_14] : memref<1x128xf32, #tpu.memory_space<vmem>>, vector<1x128xf32>
    %add3A_16 = vector.broadcast %get3A_15 : vector<1x128xf32> to vector<1000x128xf32>
    %add3A_17 = arith.addf %mul3A_12, %add3A_16 : vector<1000x128xf32>
    %max3A = arith.constant 0.000000e+00 : f32
    %max3A_18 = vector.broadcast %max3A : f32 to vector<1000x128xf32>
    %max3A_19 = arith.maximumf %add3A_17, %max3A_18 : vector<1000x128xf32>
    %swap3A = arith.constant 0 : index
    %swap3A_20 = arith.constant 0 : index
    %swap3A_21 = vector.load %arg7[%swap3A, %swap3A_20] : memref<1000x128xf32, #tpu.memory_space<vmem>>, vector<1000x128xf32>
    tpu.vector_store %arg7[%swap3A, %swap3A_20], %max3A_19 {strides = array<i32>} : memref<1000x128xf32, #tpu.memory_space<vmem>>, vector<1000x128xf32>,
    %get3A_22 = arith.constant 0 : index
    %get3A_23 = arith.constant 0 : index
    %get3A_24 = vector.load %arg6[%get3A_22, %get3A_23] : memref<128x128xf32, #tpu.memory_space<vmem>>, vector<128x128xf32>
    %dot_general3A = arith.constant dense<0.000000e+00> : vector<1000x128xf32>
    %dot_general3A_25 = tpu.matmul %max3A_19, %get3A_24, %dot_general3A {dimension_numbers = #tpu.dot_dimension_numbers<[1], [0], [0], [1], [0, 0, 1, 1], [], []>, transpose_lhs_hint = false} : vector<1000x128xf32>, vector<128x128xf32>, vector<1000x128xf32> -> vector<1000x128xf32>
    %mul3A_26 = vector.broadcast %get3A_1 : vector<1000x1xf32> to vector<1000x128xf32>
    %mul3A_27 = arith.mulf %dot_general3A_25, %mul3A_26 : vector<1000x128xf32>
    %swap3A_28 = arith.constant 0 : index
    %swap3A_29 = arith.constant 0 : index
    %swap3A_30 = vector.load %arg8[%swap3A_28, %swap3A_29] : memref<1000x128xf32, #tpu.memory_space<vmem>>, vector<1000x128xf32>
    tpu.vector_store %arg8[%swap3A_28, %swap3A_29], %mul3A_27 {strides = array<i32>} : memref<1000x128xf32, #tpu.memory_space<vmem>>, vector<1000x128xf32>,
    return
  }
  func.func @transform_0(%arg0: i32) -> (i32, i32) {
    %c0_i32 = arith.constant 0 : i32
    %c0_i32_0 = arith.constant 0 : i32
    return %arg0, %c0_i32 : i32, i32
  }
  func.func @transform_1(%arg0: i32) -> (i32, i32) {
    %c0_i32 = arith.constant 0 : i32
    %c0_i32_0 = arith.constant 0 : i32
    return %arg0, %c0_i32 : i32, i32
  }
  func.func @transform_2(%arg0: i32) -> (i32, i32) {
    %c0_i32 = arith.constant 0 : i32
    %c0_i32_0 = arith.constant 0 : i32
    return %arg0, %c0_i32 : i32, i32
  }
  func.func @transform_3(%arg0: i32) -> (i32, i32) {
    %c0_i32 = arith.constant 0 : i32
    %c0_i32_0 = arith.constant 0 : i32
    return %arg0, %c0_i32 : i32, i32
  }
  func.func @transform_4(%arg0: i32) -> (i32, i32) {
    %c0_i32 = arith.constant 0 : i32
    %c0_i32_0 = arith.constant 0 : i32
    %c0_i32_1 = arith.constant 0 : i32
    return %c0_i32, %c0_i32_0 : i32, i32
  }
  func.func @transform_5(%arg0: i32) -> (i32, i32) {
    %c0_i32 = arith.constant 0 : i32
    %c0_i32_0 = arith.constant 0 : i32
    %c0_i32_1 = arith.constant 0 : i32
    return %c0_i32, %c0_i32_0 : i32, i32
  }
  func.func @transform_6(%arg0: i32) -> (i32, i32) {
    %c0_i32 = arith.constant 0 : i32
    %c0_i32_0 = arith.constant 0 : i32
    return %arg0, %c0_i32 : i32, i32
  }
  func.func @transform_7(%arg0: i32) -> (i32, i32) {
    %c0_i32 = arith.constant 0 : i32
    %c0_i32_0 = arith.constant 0 : i32
    return %arg0, %c0_i32 : i32, i32
  }
}

module attributes {stable_mosaic.version = 14 : i64} {
  func.func @_tc3_body(%arg0: memref<10000x128xf32, #tpu.memory_space<vmem>>, %arg1: memref<10000x128xf32, #tpu.memory_space<vmem>>, %arg2: memref<10000x128xf32, #tpu.memory_space<vmem>>, %arg3: memref<10000x1xf32, #tpu.memory_space<vmem>>, %arg4: memref<1x128xf32, #tpu.memory_space<vmem>>, %arg5: memref<10000x128xf32, #tpu.memory_space<vmem>>, %arg6: memref<1x10000xi32, #tpu.memory_space<vmem>>, %arg7: memref<128x128xf32, #tpu.memory_space<vmem>>, %arg8: memref<1x128xf32, #tpu.memory_space<vmem>>, %arg9: memref<64x128xf32, #tpu.memory_space<vmem>>) attributes {dimension_semantics = [], scalar_prefetch = 0 : i64, scratch_operands = 0 : i64, tpu.core_type = #tpu.core_type<tc>} {
    %get3A = arith.constant 0 : index
    %get3A_0 = arith.constant 0 : index
    %get3A_1 = vector.load %arg0[%get3A, %get3A_0] : memref<10000x128xf32, #tpu.memory_space<vmem>>, vector<10000x128xf32>
    %get3A_2 = arith.constant 0 : index
    %get3A_3 = arith.constant 0 : index
    %get3A_4 = vector.load %arg1[%get3A_2, %get3A_3] : memref<10000x128xf32, #tpu.memory_space<vmem>>, vector<10000x128xf32>
    %add3A = arith.addf %get3A_1, %get3A_4 : vector<10000x128xf32>
    %get3A_5 = arith.constant 0 : index
    %get3A_6 = arith.constant 0 : index
    %get3A_7 = vector.load %arg2[%get3A_5, %get3A_6] : memref<10000x128xf32, #tpu.memory_space<vmem>>, vector<10000x128xf32>
    %add3A_8 = arith.addf %add3A, %get3A_7 : vector<10000x128xf32>
    %get3A_9 = arith.constant 0 : index
    %get3A_10 = arith.constant 0 : index
    %get3A_11 = vector.load %arg3[%get3A_9, %get3A_10] : memref<10000x1xf32, #tpu.memory_space<vmem>>, vector<10000x1xf32>
    %mul3A = vector.broadcast %get3A_11 : vector<10000x1xf32> to vector<10000x128xf32>
    %mul3A_12 = arith.mulf %add3A_8, %mul3A : vector<10000x128xf32>
    %get3A_13 = arith.constant 0 : index
    %get3A_14 = arith.constant 0 : index
    %get3A_15 = vector.load %arg4[%get3A_13, %get3A_14] : memref<1x128xf32, #tpu.memory_space<vmem>>, vector<1x128xf32>
    %add3A_16 = vector.broadcast %get3A_15 : vector<1x128xf32> to vector<10000x128xf32>
    %add3A_17 = arith.addf %mul3A_12, %add3A_16 : vector<10000x128xf32>
    %get3A_18 = arith.constant 0 : index
    %get3A_19 = arith.constant 0 : index
    %get3A_20 = vector.load %arg5[%get3A_18, %get3A_19] : memref<10000x128xf32, #tpu.memory_space<vmem>>, vector<10000x128xf32>
    %add3A_21 = arith.addf %add3A_17, %get3A_20 : vector<10000x128xf32>
    %get3A_22 = arith.constant 0 : index
    %get3A_23 = arith.constant 0 : index
    %get3A_24 = vector.load %arg6[%get3A_22, %get3A_23] : memref<1x10000xi32, #tpu.memory_space<vmem>>, vector<1x10000xi32>
    %iota3A = tpu.iota {dimensions = array<i32: 0>} : vector<64x10000xi32>
    %broadcast_in_dim3A = vector.shape_cast %get3A_24 : vector<1x10000xi32> to vector<1x10000xi32>
    %broadcast_in_dim3A_25 = vector.broadcast %broadcast_in_dim3A : vector<1x10000xi32> to vector<64x10000xi32>
    %eq3A = arith.cmpi eq, %iota3A, %broadcast_in_dim3A_25 : vector<64x10000xi32>
    %convert_element_type3A = arith.extui %eq3A : vector<64x10000xi1> to vector<64x10000xi32>
    %convert_element_type3A_26 = arith.sitofp %convert_element_type3A : vector<64x10000xi32> to vector<64x10000xf32>
    %dot_general3A = arith.constant dense<0.000000e+00> : vector<64x128xf32>
    %dot_general3A_27 = tpu.matmul %convert_element_type3A_26, %add3A_21, %dot_general3A {dimension_numbers = #tpu.dot_dimension_numbers<[1], [0], [0], [1], [0, 0, 1, 1], [], []>, transpose_lhs_hint = false} : vector<64x10000xf32>, vector<10000x128xf32>, vector<64x128xf32> -> vector<64x128xf32>
    %reduce_sum3A = arith.constant dense<0.000000e+00> : vector<64xf32>
    %reduce_sum3A_28 = vector.multi_reduction <add>, %convert_element_type3A_26, %reduce_sum3A [1] : vector<64x10000xf32> to vector<64xf32>
    %broadcast_in_dim3A_29 = vector.shape_cast %reduce_sum3A_28 : vector<64xf32> to vector<64x1xf32>
    %max3A = arith.constant 1.000000e+00 : f32
    %max3A_30 = vector.broadcast %max3A : f32 to vector<64x1xf32>
    %max3A_31 = arith.maximumf %broadcast_in_dim3A_29, %max3A_30 : vector<64x1xf32>
    %div3A = vector.broadcast %max3A_31 : vector<64x1xf32> to vector<64x128xf32>
    %div3A_32 = arith.divf %dot_general3A_27, %div3A : vector<64x128xf32>
    %get3A_33 = arith.constant 0 : index
    %get3A_34 = arith.constant 0 : index
    %get3A_35 = vector.load %arg7[%get3A_33, %get3A_34] : memref<128x128xf32, #tpu.memory_space<vmem>>, vector<128x128xf32>
    %dot_general3A_36 = arith.constant dense<0.000000e+00> : vector<64x128xf32>
    %dot_general3A_37 = tpu.matmul %div3A_32, %get3A_35, %dot_general3A_36 {dimension_numbers = #tpu.dot_dimension_numbers<[1], [1], [0], [0], [0, 0, 1, 0], [], []>, transpose_lhs_hint = false} : vector<64x128xf32>, vector<128x128xf32>, vector<64x128xf32> -> vector<64x128xf32>
    %get3A_38 = arith.constant 0 : index
    %get3A_39 = arith.constant 0 : index
    %get3A_40 = vector.load %arg8[%get3A_38, %get3A_39] : memref<1x128xf32, #tpu.memory_space<vmem>>, vector<1x128xf32>
    %add3A_41 = vector.broadcast %get3A_40 : vector<1x128xf32> to vector<64x128xf32>
    %add3A_42 = arith.addf %dot_general3A_37, %add3A_41 : vector<64x128xf32>
    %swap3A = arith.constant 0 : index
    %swap3A_43 = arith.constant 0 : index
    %swap3A_44 = vector.load %arg9[%swap3A, %swap3A_43] : memref<64x128xf32, #tpu.memory_space<vmem>>, vector<64x128xf32>
    tpu.vector_store %arg9[%swap3A, %swap3A_43], %add3A_42 {strides = array<i32>} : memref<64x128xf32, #tpu.memory_space<vmem>>, vector<64x128xf32>,
    return
  }
}

</mosaic_0001>

<sc_bundles>
// kernel: kernel.11.cloned.1.call-start
scs
__scs_entry_jumppad:
0x0: {  	(pc) =	sbr.rel $0x88, $3  }
0x1: {  	(tag) =	ssettag $0x0;
	lr =	simm.s32 $0x1  }
0x2: {  	[smem:$0x3F98] =	sst lr;
	_ =	strace $0xD0000000  }
0x3: {  	_ = 	snop  }
0x4: {  	_ = 	snop  }
0x5: {  	_ = 	snop  }
0x6: {  	_ = 	snop  }
0x7: {  	_ = 	snop  }
__scs_overlays_trampoline_lowered:
0x8: {  	[smem:$0x3FA7] =	sst s0  }
0x9: {  	[smem:$0x3FA8] =	sst s1  }
0xa: {  	[smem:$0x3FA9] =	sst s2  }
0xb: {  	[smem:$0x3FAA] =	sst s3  }
0xc: {  	[smem:$0x3FAB] =	sst s4  }
0xd: {  	[smem:$0x3FAC] =	sst s5  }
0xe: {  	[smem:$0x3FAD] =	sst s6  }
0xf: {  	[smem:$0x3FAE] =	sst s7  }
0x10: {  	[smem:$0x3FAF] =	sst s8  }
0x11: {  	[smem:$0x3FB0] =	sst s9;
	s0 =	simm.s32 @!p0 $0x0  }
0x12: {  	s1 =	sld [smem:$0x3F96];
	s0 =	simm.s32 @p0 $0x1  }
0x13: {  	[smem:$0x3FB1] =	sst s0;
	s0 =	simm.s32 @!p1 $0x0  }
0x14: {  	s2 =	sld [smem:$0x3F95];
	s0 =	simm.s32 @p1 $0x1  }
0x15: {  	[smem:$0x3FB2] =	sst s0;
	s0 =	simm.s32 @!p2 $0x0  }
0x16: {  	s3 =	sld [smem:$0x3FDB];
	s0 =	simm.s32 @p2 $0x1  }
0x17: {  	s4 =	simm.s32 $0x1BF5;
	[smem:$0x3FB4] =	sst s0  }
0x18: {  	s0 =	sld [smem:$0x3F97];
	_ =	swait.ge [sflag:s4], $0x0  }
0x19: {  	s7 =	sld [smem:$0x3F98]  }
0x1a: {  	s8 =	sadd.s32 $0xFFFFE003, lr  }
0x1b: {  	s9 =	sadd.s32 $0xFFFFFEF7, lr;
	s5 =	simm.s32 $0xFFFFFFFF;
	p2 =	slt.u32 s8, $0xFFFFF086  }
0x1c: {  	p1 =	slt.u32 s9, $0xF7A;
	s5 =	simm.s32 @!p2 $0x0  }
0x1d: {  	s5 =	simm.s32 @p1 $0x1;
	p0 =	seq.s32 s7, s2  }
0x1e: {  	s7 =	smul.u32 @!p0 $0xF7A, s2;
	p2 =	seq.s32 @!p0 s5, $0x0  }
0x1f: {  	s9 =	smul.u32 $0xF7A, s1;
	s8 =	simm.s32 @!p0 $0x1BF5;
	p2 =	por !p2, p0  }
0x20: {  	[sflag:s8] =	ssyncset.s32 @!p0 $0xFFFFF086;
	s6 =	sadd.s32 @!p0 s3, s7;
	s7 =	simm.s32 @!p0 $0x108  }
0x21: {  	s3 =	sadd.s32 s3, s9;
	s6 =	sadd.s32 @!p0 $0x88, s6;
	s7 =	simm.s32 @p2 $0x1082  }
0x22: {  	[simem:s7], [sflag:s8] =	dma.local @!p0 [hbm:s6], $0xF7A  }
0x23: {  	s9 =	sor.u32 $0xD0000000, s2;
	s6 =	simm.s32 $0x108;
	_ =	swait.ge @!p0 [sflag:s8], $0x0  }
0x24: {  	s3 =	sadd.s32 $0x88, s3;
	s6 =	simm.s32 @!p1 $0x1082;
	[sflag:s4] =	ssyncset.s32 $0xFFFFF086  }
0x25: {  	[simem:s6], [sflag:s4] =	dma.local [hbm:s3], $0xF7A  }
0x26: {  	[smem:$0x3F98] =	sst s1;
	(tag) =	ssettag s2;
	_ =	strace s9  }
0x27: {  	s1 =	sld [smem:$0x3FA8]  }
0x28: {  	s2 =	sld [smem:$0x3FA9]  }
0x29: {  	s4 =	sld [smem:$0x3FAB]  }
0x2a: {  	p0 =	seq.s32 s5, $0x0;
	s5 =	sld [smem:$0x3FAC]  }
0x2b: {  	s6 =	sld [smem:$0x3FAD]  }
0x2c: {  	s7 =	sld [smem:$0x3FAE]  }
0x2d: {  	s3 =	simm.s32 $0x108;
	s8 =	sld [smem:$0x3FAF]  }
0x2e: {  	s3 =	simm.s32 @!p0 $0x1082;
	s9 =	sld [smem:$0x3FB0]  }
0x2f: {  	lr =	sadd.s32 s0, s3;
	s0 =	sld [smem:$0x3FA7]  }
0x30: {  	s3 =	sld [smem:$0x3FAA]  }
0x31: {  	[smem:$0x3FB3] =	sst s10  }
0x32: {  	s10 =	sld [smem:$0x3FB1];
	_ =	sdelay $0x3  }
0x33: {  	p0 =	seq.s32 s10, $0x1;
	s10 =	sld [smem:$0x3FB3];
	_ =	sdelay $0x3  }
0x34: {  	[smem:$0x3FB3] =	sst s10  }
0x35: {  	s10 =	sld [smem:$0x3FB2];
	_ =	sdelay $0x3  }
0x36: {  	p1 =	seq.s32 s10, $0x1;
	s10 =	sld [smem:$0x3FB3];
	_ =	sdelay $0x3  }
0x37: {  	[smem:$0x3FB3] =	sst s10  }
0x38: {  	s10 =	sld [smem:$0x3FB4]  }
0x39: {  	_ = 	snop;
	(pc) =	sbr.ind lr, $3  }
0x3a: {  	_ = 	snop  }
0x3b: {  	_ = 	snop  }
0x3c: {  	p2 =	seq.s32 s10, $0x1;
	s10 =	sld [smem:$0x3FB3]  }
0x3d: {  	_ =	shalt  }
0x3e: {  	_ =	shalt  }
0x3f: {  	_ =	shalt  }
0x40: {  	_ =	shalt  }
0x41: {  	_ =	shalt  }
0x42: {  	_ =	shalt  }
0x43: {  	_ =	shalt  }
0x44: {  	_ =	shalt  }
0x45: {  	_ =	shalt  }
0x46: {  	_ =	shalt  }
0x47: {  	_ =	shalt  }
0x48: {  	_ =	shalt  }
0x49: {  	_ =	shalt  }
0x4a: {  	_ =	shalt  }
0x4b: {  	_ =	shalt  }
0x4c: {  	_ =	shalt  }
0x4d: {  	_ =	shalt  }
0x4e: {  	_ =	shalt  }
0x4f: {  	_ =	shalt  }
0x50: {  	_ =	shalt  }
0x51: {  	_ =	shalt  }
0x52: {  	_ =	shalt  }
0x53: {  	_ =	shalt  }
0x54: {  	_ =	shalt  }
0x55: {  	_ =	shalt  }
0x56: {  	_ =	shalt  }
0x57: {  	_ =	shalt  }
0x58: {  	_ =	shalt  }
0x59: {  	_ =	shalt  }
0x5a: {  	_ =	shalt  }
0x5b: {  	_ =	shalt  }
0x5c: {  	_ =	shalt  }
0x5d: {  	_ =	shalt  }
0x5e: {  	_ =	shalt  }
0x5f: {  	_ =	shalt  }
0x60: {  	_ =	shalt  }
0x61: {  	_ =	shalt  }
0x62: {  	_ =	shalt  }
0x63: {  	_ =	shalt  }
0x64: {  	_ =	shalt  }
0x65: {  	_ =	shalt  }
0x66: {  	_ =	shalt  }
0x67: {  	_ =	shalt  }
0x68: {  	_ =	shalt  }
0x69: {  	_ =	shalt  }
0x6a: {  	_ =	shalt  }
0x6b: {  	_ =	shalt  }
0x6c: {  	_ =	shalt  }
0x6d: {  	_ =	shalt  }
0x6e: {  	_ =	shalt  }
0x6f: {  	_ =	shalt  }
0x70: {  	_ =	shalt  }
0x71: {  	_ =	shalt  }
0x72: {  	_ =	shalt  }
0x73: {  	_ =	shalt  }
0x74: {  	_ =	shalt  }
0x75: {  	_ =	shalt  }
0x76: {  	_ =	shalt  }
0x77: {  	_ =	shalt  }
0x78: {  	_ =	shalt  }
0x79: {  	_ =	shalt  }
0x7a: {  	_ =	shalt  }
0x7b: {  	_ =	shalt  }
0x7c: {  	_ =	shalt  }
0x7d: {  	_ =	shalt  }
0x7e: {  	_ =	shalt  }
0x7f: {  	_ =	shalt  }
0x80: {  	_ =	shalt  }
0x81: {  	_ =	shalt  }
0x82: {  	_ =	shalt  }
0x83: {  	_ =	shalt  }
0x84: {  	_ =	shalt  }
0x85: {  	_ =	shalt  }
0x86: {  	_ =	shalt  }
0x87: {  	_ =	shalt  }
.Lfunc_end0:
.L_simem_size_0:
called_computation.1_lowered:
.L_overlay_start_0:
0x88: {  	s2 =	sld [smem:$0x3FD9]  }
0x89: {  	s3 =	sld [smem:$0x3FFE];
	_ =	sdelay $0x1  }
0x8a: {  	s1 =	srdreg.scid  }
0x8b: {  	s0 =	sand.u32 $0x1, s1  }
0x8c: {  	s16 =	sshll.u32 s0, $0xA;
	s2 =	sadd.s32 s3, s2  }
0x8d: {  	s2 =	sadd.s32 s2, s16  }
0x8e: {  	[smem:$0x3FBF] =	sst s2  }
0x8f: {  	_ = 	snop  }
0x90: {  	(tm) =	ssettm $0x1  }
0x91: {  	s17 =	sld [smem:$0x3FFB];
	_ =	sdelay $0x3  }
0x92: {  	_ =	strace s17  }
0x93: {  	s2 =	sld [smem:$0x3FFC];
	_ =	sdelay $0x3  }
0x94: {  	_ =	strace s2  }
0x95: {  	s2 =	sld [smem:$0x3FFD];
	_ =	sdelay $0x3  }
0x96: {  	_ =	strace s2  }
0x97: {  	_ =	strace $0x8FFFFFFF  }
0x98: {  	s18 =	sld [smem:$0x3FDB];
	_ =	sdelay $0x1  }
0x99: {  	s19 =	simm.s32 $_scs_section_size  }
0x9a: {  	s4 =	simm.s32 $_size__tile_overlayer_lowered;
	s5 =	simm.s32 $_tile_overlayer_lowered  }
0x9b: {  	s22 =	simm.s32 $0x1BFF;
	s21 =	sshll.u32 s5, $0x1;
	s2 =	sadd.s32 s19, s18  }
0x9c: {  	s6 =	simm.s32 $0x0;
	s20 =	sshll.u32 s4, $0x1;
	s4 =	sadd.s32 s21, s2  }
0x9d: {  	[timem:s6], [sflag:s22] =	dma.local [hbm:s4], s20  }
0x9e: {  	_ =	swait.ge [sflag:s22], s20  }
0x9f: {  	s3 =	ssub.s32 $0x0, s20;
	[sflag:s22] =	ssyncset.done $0x0  }
0xa0: {  	[sflag:s22] =	ssyncadd.s32 s3;
	_ =	sdelay $0x1  }
0xa1: {  	s23 =	simm.s32 $0x1B8B  }
0xa2: {  	_ =	swait.ge [sflag:s23], $0x1  }
0xa3: {  	[sflag:s23] =	ssyncset.done $0x0  }
0xa4: {  	s25 =	simm.s32 $0x1B8E;
	s24 =	sld [smem:$0x3FFE];
	[sflag:s23] =	ssyncadd.s32 $0xFFFFFFFF  }
0xa5: {  	s26 =	simm.s32 $execute0_lowered;
	[smem:$0x3FD2] =	sst s25  }
0xa6: {  	s4 =	sshll.u32 s26, $0x1;
	_ =	strace $0x80000049;
	[dreg:$0x1] =	wrdreg $0xFFFFFFFF  }
0xa7: {  	s28 =	simm.s32 $_size_execute0_lowered;
	s2 =	sadd.s32 s2, s4;
	[dreg:$0x0] =	wrdreg $0x0  }
0xa8: {  	s4 =	sshll.u32 s28, $0x1;
	[dreg:$0x2] =	wrdreg s2  }
0xa9: {  	[dreg:$0x3] =	wrdreg s4  }
0xaa: {  	[dreg:$0x4] =	wrdreg $0xC0  }
0xab: {  	_ =	task [dreg:s6], $0x5FFFF  }
0xac: {  	[dreg:$0x1] =	wrdreg $0xFFFFFFFF  }
0xad: {  	[dreg:$0x0] =	wrdreg $0x60  }
0xae: {  	[dreg:$0x2] =	wrdreg s24  }
0xaf: {  	[dreg:$0x3] =	wrdreg $0xC0000  }
0xb0: {  	[dreg:$0x4] =	wrdreg $0x9  }
0xb1: {  	_ =	task.clear_ibuf [dreg:s6], $0x5FFFF;
	_ =	strace $0x90000049  }
0xb2: {  	s29 =	simm.s32 $0x9;
	_ =	strace $0x8000004B  }
0xb3: {  	_ =	swait.ge [sflag:s29], $0x1  }
0xb4: {  	[sflag:s29] =	ssyncadd.s32 $0xFFFFFFFF  }
0xb5: {  	_ =	strace $0x9000004B  }
0xb6: {  	_ =	sfence  }
0xb7: {  	s30 =	sld [smem:$0x0];
	_ =	sdelay $0x2  }
0xb8: {  	s31 =	sshll.u32 s1, $0xD;
	s1 =	sshrl.u32 s1, $0x2  }
0xb9: {  	s3 =	sand.u32 $0x4000, s31;
	s1 =	sadd.s32 s1, s30  }
0xba: {  	s0 =	sor.u32 s3, s0;
	s1 =	sshll.u32 s1, $0x11  }
0xbb: {  	s0 =	sor.u32 s1, s0  }
0xbc: {  	s0 =	sadd.s32 $0x8F2B, s0  }
0xbd: {  	[sflag:s0] =	ssyncadd.remote.s32 $0x1  }
0xbe: {  	_ =	sfence.sel $0xFFFF  }
0xbf: {  	[dreg:$0x0] =	wrdreg $0xFFFFFFFF;
	(pc) =	sbr.abs _section_cstart, $3  }
0xc0: {  	[dreg:$0x1] =	wrdreg $0xFFFFFFFF  }
0xc1: {  	_ =	task.clear_ibuf [dreg:s6], $0x2FFFF;
	_ =	strace $0x9FFFFFFF  }
0xc2: {  	(tm) =	ssettm $0x7FFFFFFF  }
0xc3: {  	_ =	shalt  }
tec
execute0_lowered:
.L_overlay_start_1:
0x0: {  	(tag) =	ssettag $0x1  }
0x1: {  	s7 =	rddreg [dreg:$0x0]  }
0x2: {  	s0 =	srdreg.scid;
	s2 =	rddreg [dreg:$0x1];
	s13 =	simm.s32 $0x80  }
0x3: {  	s14 =	simm.s32 $0x400;
	s15 =	simm.s32 $0x2800;
	s16 =	simm.s32 $0x60  }
0x4: {  	s17 =	simm.s32 $0x6000;
	s18 =	simm.s32 $0x9000;
	s19 =	simm.s32 $0x1  }
0x5: {  	s20 =	simm.s32 $0x2;
	s21 =	simm.s32 $0x5C00;
	s6 =	sand.u32 $0x1, s0  }
0x6: {  	s22 =	simm.s32 $0x5C80;
	s0 =	stileid.u32;
	s29 =	smul.u32 $0x13C000, s6  }
0x7: {  	s23 =	simm.s32 $0x0;
	s1 =	sshll.u32 s6, $0x4;
	s10 =	smul.u32 $0x13C00, s0  }
0x8: {  	s5 =	sshll.u32 s0, $0x7;
	s11 =	smul.u32 $0x4F000, s0;
	s6 =	ssub.s32 $0x2, s6  }
0x9: {  	s31 =	sshll.u32 s0, $0x6;
	s3 =	sor.u32 s0, s1;
	s5 =	sand.u32 $0x380, s5  }
0xa: {  	s30 =	sshrl.u32 s6, $0x1;
	s1 =	sshrl.u32 s3, $0x3;
	s8 =	smul.u32 $0x700, s3  }
0xb: {  	s3 =	simm.s32 $0x0;
	s10 =	sadd.s32 s10, s29;
	s11 =	sshrl.u32 s11, $0x2  }
0xc: {  	s12 =	ssub.s32 s6, s30;
	s4 =	smul.u32 $0x14000, s1;
	s1 =	rddreg [dreg:$0x2]  }
0xd: {  	s6 =	sor.u32 $0x1C03, s31;
	[smem:$0x7FF] =	sst s3;
	s10 =	sshrl.u32 s10, $0x3  }
0xe: {  	s11 =	sadd.s32 s11, s2;
	_ =	strace $0x8000004A;
	s4 =	sor.u32 s5, s4  }
0xf: {  	s8 =	sadd.s32 s8, s7;
	s10 =	sadd.s32 s10, s7;
	s9 =	sshrl.u32 s4, $0x3  }
0x10: {  	s11 =	sshrl.u32 s11, $0x3;
	s5 =	sadd.s32 $0x11C00, s7;
	s9 =	sadd.s32 s9, s7  }
0x11: {  	s8 =	sadd.s32 $0x3C00, s8;
	s4 =	sadd.s32 $0x14400, s7;
	s7 =	sadd.s32 $0x63A00, s9  }
0x12: {  	s9 =	sadd.s32 $0x6DA00, s10;
	s10 =	smax.u32 s12, $0x1;
	s12 =	simm.s32 $0x3  }
.LBB2_1:
0x13: {  	[spmem:s11], [sflag:s6] =	dma.local [hbm:s5], $0x2780  }
0x14: {  	_ =	swait.ge [sflag:s12], $0x2780  }
0x15: {  	[sflag:s12] =	ssyncset.done $0x0  }
0x16: {  	[sflag:s12] =	ssyncadd.s32 $0xFFFFD880  }
0x17: {  	[tilespmem:s3], [sflag:$0x3] =	stream.strided.gather [hbm4b:s7+s13], $0x2800, s14, s13, $0x38;
	[tilespmem:$0x1FC00] =	vst v63  }
0x18: {  	_ =	swait.ge [sflag:s12], $0x2800  }
0x19: {  	[sflag:s12] =	ssyncset.done $0x0  }
0x1a: {  	[sflag:s12] =	ssyncadd.s32 $0xFFFFD800  }
0x1b: {  	[tilespmem:s15], [sflag:$0x3] =	stream.linear.gather [hbm4b:s8+s3], $0x3500, $0x38;
	[tilespmem:$0x1FC00] =	vst v63  }
0x1c: {  	_ =	swait.ge [sflag:s12], $0x3500  }
0x1d: {  	[sflag:s12] =	ssyncset.done $0x0  }
0x1e: {  	[sflag:s12] =	ssyncadd.s32 $0xFFFFCB00  }
0x1f: {  	[bflag:$0x0] =	sbarrier.arrive $0xFFFF  }
0x20: {  	[tilespmem:s17], [sflag:$0x1] =	stream.indirect.gather [hbm4b:s4+s16], $0x80, s3, s16, $0xb8;
	[tilespmem:$0x1FC00] =	vst v63  }
0x21: {  	_ = 	snop  }
0x22: {  	[tilespmem:s18], [sflag:$0x2] =	stream.indirect.gather [hbm4b:s4+s16], $0x80, s16, s16, $0xb8;
	[tilespmem:$0x1FC00] =	vst v63  }
0x23: {  	_ =	swait.ge [sflag:s19], $0x3000  }
0x24: {  	[sflag:s19] =	ssyncset.done $0x0  }
0x25: {  	s24 =	simm.s32 $0x2800;
	[sflag:s19] =	ssyncadd.s32 $0xFFFFD000  }
0x26: {  	[spmem:s2] =	stream.indirect.scatter.add.f32 [tilespmem:s17], [sflag:$0x3], $0x80, s24, s16, $0xb8;
	[tilespmem:$0x1FC00] =	vst v63  }
0x27: {  	_ =	swait.ge [sflag:s12], $0x3000  }
0x28: {  	[sflag:s12] =	ssyncset.done $0x0  }
0x29: {  	s30 =	simm.s32 $0xC0;
	[sflag:s12] =	ssyncadd.s32 $0xFFFFD000  }
0x2a: {  	[tilespmem:s17], [sflag:$0x1] =	stream.indirect.gather [hbm4b:s4+s16], $0x80, s30, s16, $0xb8;
	[tilespmem:$0x1FC00] =	vst v63  }
0x2b: {  	_ =	swait.ge [sflag:s20], $0x3000  }
0x2c: {  	[sflag:s20] =	ssyncset.done $0x0  }
0x2d: {  	s31 =	simm.s32 $0x2880;
	[sflag:s20] =	ssyncadd.s32 $0xFFFFD000  }
0x2e: {  	[spmem:s2] =	stream.indirect.scatter.add.f32 [tilespmem:s18], [sflag:$0x3], $0x80, s31, s16, $0xb8;
	[tilespmem:$0x1FC00] =	vst v63  }
0x2f: {  	_ =	swait.ge [sflag:s12], $0x3000  }
0x30: {  	s25 =	simm.s32 $0x400;
	[sflag:s12] =	ssyncset.done $0x0  }
0x31: {  	s26 =	simm.s32 $0x1E0;
	s24 =	simm.s32 $0x120;
	[sflag:s12] =	ssyncadd.s32 $0xFFFFD000  }
.LBB2_2:
0x32: {  	[tilespmem:s18], [sflag:$0x2] =	stream.indirect.gather [hbm4b:s4+s16], $0x80, s24, s16, $0xb8;
	[tilespmem:$0x1FC00] =	vst v63  }
0x33: {  	s28 =	smov.u32 s25;
	s24 =	smov.u32 s26  }
0x34: {  	p0 =	sne.s32 s25, $0xCC00;
	s25 =	sadd.s32 $0x400, s25;
	_ =	swait.ge [sflag:s19], $0x3000  }
0x35: {  	s28 =	sshra.s32 s28, $0x2;
	[sflag:s19] =	ssyncset.done $0x0  }
0x36: {  	s29 =	sadd.s32 $0x2800, s28;
	[sflag:s19] =	ssyncadd.s32 $0xFFFFD000  }
0x37: {  	[spmem:s2] =	stream.indirect.scatter.add.f32 [tilespmem:s17], [sflag:$0x3], $0x80, s29, s16, $0xb8;
	[tilespmem:$0x1FC00] =	vst v63  }
0x38: {  	_ =	swait.ge [sflag:s12], $0x3000  }
0x39: {  	[sflag:s12] =	ssyncset.done $0x0  }
0x3a: {  	s29 =	sadd.s32 $0xFFFFFFA0, s26;
	[sflag:s12] =	ssyncadd.s32 $0xFFFFD000  }
0x3b: {  	[tilespmem:s17], [sflag:$0x1] =	stream.indirect.gather [hbm4b:s4+s16], $0x80, s29, s16, $0xb8;
	[tilespmem:$0x1FC00] =	vst v63  }
0x3c: {  	_ =	swait.ge [sflag:s20], $0x3000  }
0x3d: {  	[sflag:s20] =	ssyncset.done $0x0  }
.Ltmp0:
0x3e: {  	s28 =	sadd.s32 $0x2880, s28;
	[sflag:s20] =	ssyncadd.s32 $0xFFFFD000;
	(pc) =	sbr.rel @p0 .LBB2_2-.Ltmp0, $4  }
0x3f: {  	[spmem:s2] =	stream.indirect.scatter.add.f32 [tilespmem:s18], [sflag:$0x3], $0x80, s28, s16, $0xb8;
	[tilespmem:$0x1FC00] =	vst v63  }
0x40: {  	_ =	swait.ge [sflag:s12], $0x3000  }
0x41: {  	[sflag:s12] =	ssyncset.done $0x0  }
0x42: {  	s26 =	sadd.s32 $0xC0, s26;
	[sflag:s12] =	ssyncadd.s32 $0xFFFFD000  }
0x43: {  	[tilespmem:s18], [sflag:$0x2] =	stream.indirect.gather [hbm4b:s4+s16], $0x80, s24, s16, $0xb8;
	[tilespmem:$0x1FC00] =	vst v63  }
0x44: {  	_ =	swait.ge [sflag:s19], $0x3000  }
0x45: {  	[sflag:s19] =	ssyncset.done $0x0  }
0x46: {  	[sflag:s19] =	ssyncadd.s32 $0xFFFFD000  }
0x47: {  	[spmem:s2] =	stream.indirect.scatter.add.f32 [tilespmem:s17], [sflag:$0x3], $0x80, s21, s16, $0xb8;
	[tilespmem:$0x1FC00] =	vst v63  }
0x48: {  	_ =	swait.ge [sflag:s12], $0x3000  }
0x49: {  	[sflag:s12] =	ssyncset.done $0x0  }
0x4a: {  	[sflag:s12] =	ssyncadd.s32 $0xFFFFD000  }
0x4b: {  	_ =	swait.ge [sflag:s20], $0x3000  }
0x4c: {  	[sflag:s20] =	ssyncset.done $0x0  }
0x4d: {  	[sflag:s20] =	ssyncadd.s32 $0xFFFFD000  }
0x4e: {  	[spmem:s2] =	stream.indirect.scatter.add.f32 [tilespmem:s18], [sflag:$0x3], $0x80, s22, s16, $0xb8;
	[tilespmem:$0x1FC00] =	vst v63  }
0x4f: {  	_ =	swait.ge [sflag:s12], $0x3000  }
0x50: {  	s23 =	sadd.s32 $0x1, s23;
	[sflag:s12] =	ssyncset.done $0x0  }
0x51: {  	p0 =	sne.s32 s23, s10;
	[sflag:s12] =	ssyncadd.s32 $0xFFFFD000  }
.Ltmp1:
0x52: {  	[bflag:$0x0] =	sbarrier.arrive $0xFFFF;
	(pc) =	sbr.rel @p0 .LBB2_1-.Ltmp1, $4  }
0x53: {  	[hbm:s9], [sflag:s6] =	dma.local [spmem:s11], $0x2780  }
0x54: {  	_ =	swait.ge [sflag:s12], $0x2780  }
0x55: {  	[sflag:s12] =	ssyncset.done $0x0  }
0x56: {  	[sflag:s12] =	ssyncadd.s32 $0xFFFFD880  }
0x57: {  	_ =	sfence.sel $0x180000  }
0x58: {  	[bflag:$0x0] =	sbarrier.arrive $0xFFFF  }
0x59: {  	p0 =	sne.s32 s0, $0x0;
	_ =	strace $0x9000004A  }
0x5a: {  	s0 =	sadd.s32 @!p0 $0x100000, s1;
	[bflag:$0x2] =	sbarrier.arrive $0xFFFF  }
0x5b: {  	[sflag:s0] =	ssyncadd.tile.s32 @!p0 $0x1;
	_ =	shalt  }
.Lfunc_end2:
_tile_overlayer_lowered:
.L_overlay_start_2:
0x5c: {  	(tag) =	ssettag $0x2  }
0x5d: {  	s0 =	rddreg [dreg:$0x0];
	s2 =	stileid.u32  }
0x5e: {  	s1 =	rddreg [dreg:$0x1];
	p0 =	sne.s32 s2, $0x0  }
0x5f: {  	s3 =	rddreg [dreg:$0x2];
	[bflag:$0x3] =	sbarrier.arrive $0xFFFF;
	s2 =	simm.s32 @!p0 $0x1C03  }
0x60: {  	[timem:s3], [sflag:s2] =	dma.local @!p0 [hbm:s0], s1  }
0x61: {  	s0 =	simm.s32 @!p0 $0x3  }
0x62: {  	_ =	swait.ge @!p0 [sflag:s0], s1  }
0x63: {  	s1 =	ssub.s32 @!p0 $0x0, s1;
	[sflag:s0] =	ssyncset.done @!p0 $0x0  }
0x64: {  	[sflag:s0] =	ssyncadd.s32 @!p0 s1  }
0x65: {  	[bflag:$0x3] =	sbarrier.arrive $0xFFFF  }
0x66: {  	_ =	shalt  }

// kernel: kernel.14.cloned.1.call-start
scs
__scs_entry_jumppad:
0x0: {  	(pc) =	sbr.rel $0x88, $3  }
0x1: {  	(tag) =	ssettag $0x0;
	lr =	simm.s32 $0x1  }
0x2: {  	[smem:$0x3F98] =	sst lr;
	_ =	strace $0xD0000000  }
0x3: {  	_ = 	snop  }
0x4: {  	_ = 	snop  }
0x5: {  	_ = 	snop  }
0x6: {  	_ = 	snop  }
0x7: {  	_ = 	snop  }
__scs_overlays_trampoline_lowered:
0x8: {  	[smem:$0x3FA7] =	sst s0  }
0x9: {  	[smem:$0x3FA8] =	sst s1  }
0xa: {  	[smem:$0x3FA9] =	sst s2  }
0xb: {  	[smem:$0x3FAA] =	sst s3  }
0xc: {  	[smem:$0x3FAB] =	sst s4  }
0xd: {  	[smem:$0x3FAC] =	sst s5  }
0xe: {  	[smem:$0x3FAD] =	sst s6  }
0xf: {  	[smem:$0x3FAE] =	sst s7  }
0x10: {  	[smem:$0x3FAF] =	sst s8  }
0x11: {  	[smem:$0x3FB0] =	sst s9;
	s0 =	simm.s32 @!p0 $0x0  }
0x12: {  	s1 =	sld [smem:$0x3F96];
	s0 =	simm.s32 @p0 $0x1  }
0x13: {  	[smem:$0x3FB1] =	sst s0;
	s0 =	simm.s32 @!p1 $0x0  }
0x14: {  	s2 =	sld [smem:$0x3F95];
	s0 =	simm.s32 @p1 $0x1  }
0x15: {  	[smem:$0x3FB2] =	sst s0;
	s0 =	simm.s32 @!p2 $0x0  }
0x16: {  	s3 =	sld [smem:$0x3FDB];
	s0 =	simm.s32 @p2 $0x1  }
0x17: {  	s4 =	simm.s32 $0x1BF5;
	[smem:$0x3FB4] =	sst s0  }
0x18: {  	s0 =	sld [smem:$0x3F97];
	_ =	swait.ge [sflag:s4], $0x0  }
0x19: {  	s7 =	sld [smem:$0x3F98]  }
0x1a: {  	s8 =	sadd.s32 $0xFFFFE003, lr  }
0x1b: {  	s9 =	sadd.s32 $0xFFFFFEF7, lr;
	s5 =	simm.s32 $0xFFFFFFFF;
	p2 =	slt.u32 s8, $0xFFFFF086  }
0x1c: {  	p1 =	slt.u32 s9, $0xF7A;
	s5 =	simm.s32 @!p2 $0x0  }
0x1d: {  	s5 =	simm.s32 @p1 $0x1;
	p0 =	seq.s32 s7, s2  }
0x1e: {  	s7 =	smul.u32 @!p0 $0xF7A, s2;
	p2 =	seq.s32 @!p0 s5, $0x0  }
0x1f: {  	s9 =	smul.u32 $0xF7A, s1;
	s8 =	simm.s32 @!p0 $0x1BF5;
	p2 =	por !p2, p0  }
0x20: {  	[sflag:s8] =	ssyncset.s32 @!p0 $0xFFFFF086;
	s6 =	sadd.s32 @!p0 s3, s7;
	s7 =	simm.s32 @!p0 $0x108  }
0x21: {  	s3 =	sadd.s32 s3, s9;
	s6 =	sadd.s32 @!p0 $0x88, s6;
	s7 =	simm.s32 @p2 $0x1082  }
0x22: {  	[simem:s7], [sflag:s8] =	dma.local @!p0 [hbm:s6], $0xF7A  }
0x23: {  	s9 =	sor.u32 $0xD0000000, s2;
	s6 =	simm.s32 $0x108;
	_ =	swait.ge @!p0 [sflag:s8], $0x0  }
0x24: {  	s3 =	sadd.s32 $0x88, s3;
	s6 =	simm.s32 @!p1 $0x1082;
	[sflag:s4] =	ssyncset.s32 $0xFFFFF086  }
0x25: {  	[simem:s6], [sflag:s4] =	dma.local [hbm:s3], $0xF7A  }
0x26: {  	[smem:$0x3F98] =	sst s1;
	(tag) =	ssettag s2;
	_ =	strace s9  }
0x27: {  	s1 =	sld [smem:$0x3FA8]  }
0x28: {  	s2 =	sld [smem:$0x3FA9]  }
0x29: {  	s4 =	sld [smem:$0x3FAB]  }
0x2a: {  	p0 =	seq.s32 s5, $0x0;
	s5 =	sld [smem:$0x3FAC]  }
0x2b: {  	s6 =	sld [smem:$0x3FAD]  }
0x2c: {  	s7 =	sld [smem:$0x3FAE]  }
0x2d: {  	s3 =	simm.s32 $0x108;
	s8 =	sld [smem:$0x3FAF]  }
0x2e: {  	s3 =	simm.s32 @!p0 $0x1082;
	s9 =	sld [smem:$0x3FB0]  }
0x2f: {  	lr =	sadd.s32 s0, s3;
	s0 =	sld [smem:$0x3FA7]  }
0x30: {  	s3 =	sld [smem:$0x3FAA]  }
0x31: {  	[smem:$0x3FB3] =	sst s10  }
0x32: {  	s10 =	sld [smem:$0x3FB1];
	_ =	sdelay $0x3  }
0x33: {  	p0 =	seq.s32 s10, $0x1;
	s10 =	sld [smem:$0x3FB3];
	_ =	sdelay $0x3  }
0x34: {  	[smem:$0x3FB3] =	sst s10  }
0x35: {  	s10 =	sld [smem:$0x3FB2];
	_ =	sdelay $0x3  }
0x36: {  	p1 =	seq.s32 s10, $0x1;
	s10 =	sld [smem:$0x3FB3];
	_ =	sdelay $0x3  }
0x37: {  	[smem:$0x3FB3] =	sst s10  }
0x38: {  	s10 =	sld [smem:$0x3FB4]  }
0x39: {  	_ = 	snop;
	(pc) =	sbr.ind lr, $3  }
0x3a: {  	_ = 	snop  }
0x3b: {  	_ = 	snop  }
0x3c: {  	p2 =	seq.s32 s10, $0x1;
	s10 =	sld [smem:$0x3FB3]  }
0x3d: {  	_ =	shalt  }
0x3e: {  	_ =	shalt  }
0x3f: {  	_ =	shalt  }
0x40: {  	_ =	shalt  }
0x41: {  	_ =	shalt  }
0x42: {  	_ =	shalt  }
0x43: {  	_ =	shalt  }
0x44: {  	_ =	shalt  }
0x45: {  	_ =	shalt  }
0x46: {  	_ =	shalt  }
0x47: {  	_ =	shalt  }
0x48: {  	_ =	shalt  }
0x49: {  	_ =	shalt  }
0x4a: {  	_ =	shalt  }
0x4b: {  	_ =	shalt  }
0x4c: {  	_ =	shalt  }
0x4d: {  	_ =	shalt  }
0x4e: {  	_ =	shalt  }
0x4f: {  	_ =	shalt  }
0x50: {  	_ =	shalt  }
0x51: {  	_ =	shalt  }
0x52: {  	_ =	shalt  }
0x53: {  	_ =	shalt  }
0x54: {  	_ =	shalt  }
0x55: {  	_ =	shalt  }
0x56: {  	_ =	shalt  }
0x57: {  	_ =	shalt  }
0x58: {  	_ =	shalt  }
0x59: {  	_ =	shalt  }
0x5a: {  	_ =	shalt  }
0x5b: {  	_ =	shalt  }
0x5c: {  	_ =	shalt  }
0x5d: {  	_ =	shalt  }
0x5e: {  	_ =	shalt  }
0x5f: {  	_ =	shalt  }
0x60: {  	_ =	shalt  }
0x61: {  	_ =	shalt  }
0x62: {  	_ =	shalt  }
0x63: {  	_ =	shalt  }
0x64: {  	_ =	shalt  }
0x65: {  	_ =	shalt  }
0x66: {  	_ =	shalt  }
0x67: {  	_ =	shalt  }
0x68: {  	_ =	shalt  }
0x69: {  	_ =	shalt  }
0x6a: {  	_ =	shalt  }
0x6b: {  	_ =	shalt  }
0x6c: {  	_ =	shalt  }
0x6d: {  	_ =	shalt  }
0x6e: {  	_ =	shalt  }
0x6f: {  	_ =	shalt  }
0x70: {  	_ =	shalt  }
0x71: {  	_ =	shalt  }
0x72: {  	_ =	shalt  }
0x73: {  	_ =	shalt  }
0x74: {  	_ =	shalt  }
0x75: {  	_ =	shalt  }
0x76: {  	_ =	shalt  }
0x77: {  	_ =	shalt  }
0x78: {  	_ =	shalt  }
0x79: {  	_ =	shalt  }
0x7a: {  	_ =	shalt  }
0x7b: {  	_ =	shalt  }
0x7c: {  	_ =	shalt  }
0x7d: {  	_ =	shalt  }
0x7e: {  	_ =	shalt  }
0x7f: {  	_ =	shalt  }
0x80: {  	_ =	shalt  }
0x81: {  	_ =	shalt  }
0x82: {  	_ =	shalt  }
0x83: {  	_ =	shalt  }
0x84: {  	_ =	shalt  }
0x85: {  	_ =	shalt  }
0x86: {  	_ =	shalt  }
0x87: {  	_ =	shalt  }
.Lfunc_end0:
.L_simem_size_0:
called_computation.2_lowered:
.L_overlay_start_0:
0x88: {  	s2 =	sld [smem:$0x3FD9]  }
0x89: {  	s3 =	sld [smem:$0x3FFE];
	_ =	sdelay $0x1  }
0x8a: {  	s1 =	srdreg.scid  }
0x8b: {  	s0 =	sand.u32 $0x1, s1  }
0x8c: {  	s16 =	sshll.u32 s0, $0xA;
	s2 =	sadd.s32 s3, s2  }
0x8d: {  	s2 =	sadd.s32 s2, s16  }
0x8e: {  	[smem:$0x3FBF] =	sst s2  }
0x8f: {  	_ = 	snop  }
0x90: {  	(tm) =	ssettm $0x1  }
0x91: {  	s17 =	sld [smem:$0x3FFB];
	_ =	sdelay $0x3  }
0x92: {  	_ =	strace s17  }
0x93: {  	s2 =	sld [smem:$0x3FFC];
	_ =	sdelay $0x3  }
0x94: {  	_ =	strace s2  }
0x95: {  	s2 =	sld [smem:$0x3FFD];
	_ =	sdelay $0x3  }
0x96: {  	_ =	strace s2  }
0x97: {  	_ =	strace $0x8FFFFFFF  }
0x98: {  	s18 =	sld [smem:$0x3FDB];
	_ =	sdelay $0x1  }
0x99: {  	s19 =	simm.s32 $_scs_section_size  }
0x9a: {  	s4 =	simm.s32 $_size__tile_overlayer_lowered;
	s5 =	simm.s32 $_tile_overlayer_lowered  }
0x9b: {  	s22 =	simm.s32 $0x1BFF;
	s21 =	sshll.u32 s5, $0x1;
	s2 =	sadd.s32 s19, s18  }
0x9c: {  	s6 =	simm.s32 $0x0;
	s20 =	sshll.u32 s4, $0x1;
	s4 =	sadd.s32 s21, s2  }
0x9d: {  	[timem:s6], [sflag:s22] =	dma.local [hbm:s4], s20  }
0x9e: {  	_ =	swait.ge [sflag:s22], s20  }
0x9f: {  	s3 =	ssub.s32 $0x0, s20;
	[sflag:s22] =	ssyncset.done $0x0  }
0xa0: {  	[sflag:s22] =	ssyncadd.s32 s3;
	_ =	sdelay $0x1  }
0xa1: {  	s23 =	simm.s32 $0x1B8B  }
0xa2: {  	_ =	swait.ge [sflag:s23], $0x1  }
0xa3: {  	[sflag:s23] =	ssyncset.done $0x0  }
0xa4: {  	s25 =	simm.s32 $0x1B8E;
	s24 =	sld [smem:$0x3FFE];
	[sflag:s23] =	ssyncadd.s32 $0xFFFFFFFF  }
0xa5: {  	s26 =	simm.s32 $execute0_lowered;
	[smem:$0x3FD2] =	sst s25  }
0xa6: {  	s4 =	sshll.u32 s26, $0x1;
	_ =	strace $0x8000004C;
	[dreg:$0x1] =	wrdreg $0xFFFFFFFF  }
0xa7: {  	s28 =	simm.s32 $_size_execute0_lowered;
	s2 =	sadd.s32 s2, s4;
	[dreg:$0x0] =	wrdreg $0x0  }
0xa8: {  	s4 =	sshll.u32 s28, $0x1;
	[dreg:$0x2] =	wrdreg s2  }
0xa9: {  	[dreg:$0x3] =	wrdreg s4  }
0xaa: {  	[dreg:$0x4] =	wrdreg $0xC0  }
0xab: {  	_ =	task [dreg:s6], $0x5FFFF  }
0xac: {  	[dreg:$0x1] =	wrdreg $0xFFFFFFFF  }
0xad: {  	[dreg:$0x0] =	wrdreg $0x60  }
0xae: {  	[dreg:$0x2] =	wrdreg s24  }
0xaf: {  	[dreg:$0x3] =	wrdreg $0xC0000  }
0xb0: {  	[dreg:$0x4] =	wrdreg $0x9  }
0xb1: {  	_ =	task.clear_ibuf [dreg:s6], $0x5FFFF;
	_ =	strace $0x9000004C  }
0xb2: {  	s29 =	simm.s32 $0x9;
	_ =	strace $0x8000004E  }
0xb3: {  	_ =	swait.ge [sflag:s29], $0x1  }
0xb4: {  	[sflag:s29] =	ssyncadd.s32 $0xFFFFFFFF  }
0xb5: {  	_ =	strace $0x9000004E  }
0xb6: {  	_ =	sfence  }
0xb7: {  	s30 =	sld [smem:$0x0];
	_ =	sdelay $0x2  }
0xb8: {  	s31 =	sshll.u32 s1, $0xD;
	s1 =	sshrl.u32 s1, $0x2  }
0xb9: {  	s3 =	sand.u32 $0x4000, s31;
	s1 =	sadd.s32 s1, s30  }
0xba: {  	s0 =	sor.u32 s3, s0;
	s1 =	sshll.u32 s1, $0x11  }
0xbb: {  	s0 =	sor.u32 s1, s0  }
0xbc: {  	s0 =	sadd.s32 $0x8F2B, s0  }
0xbd: {  	[sflag:s0] =	ssyncadd.remote.s32 $0x1  }
0xbe: {  	_ =	sfence.sel $0xFFFF  }
0xbf: {  	[dreg:$0x0] =	wrdreg $0xFFFFFFFF;
	(pc) =	sbr.abs _section_cstart, $3  }
0xc0: {  	[dreg:$0x1] =	wrdreg $0xFFFFFFFF  }
0xc1: {  	_ =	task.clear_ibuf [dreg:s6], $0x2FFFF;
	_ =	strace $0x9FFFFFFF  }
0xc2: {  	(tm) =	ssettm $0x7FFFFFFF  }
0xc3: {  	_ =	shalt  }
tec
execute0_lowered:
.L_overlay_start_1:
0x0: {  	(tag) =	ssettag $0x1  }
0x1: {  	s7 =	rddreg [dreg:$0x0]  }
0x2: {  	s0 =	srdreg.scid;
	s2 =	rddreg [dreg:$0x1];
	s13 =	simm.s32 $0x80  }
0x3: {  	s14 =	simm.s32 $0x400;
	s15 =	simm.s32 $0x2800;
	s16 =	simm.s32 $0x60  }
0x4: {  	s17 =	simm.s32 $0x6000;
	s18 =	simm.s32 $0x9000;
	s19 =	simm.s32 $0x1  }
0x5: {  	s20 =	simm.s32 $0x2;
	s21 =	simm.s32 $0x5C00;
	s6 =	sand.u32 $0x1, s0  }
0x6: {  	s22 =	simm.s32 $0x5C80;
	s0 =	stileid.u32;
	s29 =	smul.u32 $0x13C000, s6  }
0x7: {  	s23 =	simm.s32 $0x0;
	s1 =	sshll.u32 s6, $0x4;
	s10 =	smul.u32 $0x13C00, s0  }
0x8: {  	s5 =	sshll.u32 s0, $0x7;
	s11 =	smul.u32 $0x4F000, s0;
	s6 =	ssub.s32 $0x2, s6  }
0x9: {  	s31 =	sshll.u32 s0, $0x6;
	s3 =	sor.u32 s0, s1;
	s5 =	sand.u32 $0x380, s5  }
0xa: {  	s30 =	sshrl.u32 s6, $0x1;
	s1 =	sshrl.u32 s3, $0x3;
	s8 =	smul.u32 $0x700, s3  }
0xb: {  	s3 =	simm.s32 $0x0;
	s10 =	sadd.s32 s10, s29;
	s11 =	sshrl.u32 s11, $0x2  }
0xc: {  	s12 =	ssub.s32 s6, s30;
	s4 =	smul.u32 $0x14000, s1;
	s1 =	rddreg [dreg:$0x2]  }
0xd: {  	s6 =	sor.u32 $0x1C03, s31;
	[smem:$0x7FF] =	sst s3;
	s10 =	sshrl.u32 s10, $0x3  }
0xe: {  	s11 =	sadd.s32 s11, s2;
	_ =	strace $0x8000004D;
	s4 =	sor.u32 s5, s4  }
0xf: {  	s8 =	sadd.s32 s8, s7;
	s10 =	sadd.s32 s10, s7;
	s9 =	sshrl.u32 s4, $0x3  }
0x10: {  	s11 =	sshrl.u32 s11, $0x3;
	s5 =	sadd.s32 $0x11C00, s7;
	s9 =	sadd.s32 s9, s7  }
0x11: {  	s8 =	sadd.s32 $0x3C00, s8;
	s4 =	sadd.s32 $0x14400, s7;
	s7 =	sadd.s32 $0x63A00, s9  }
0x12: {  	s9 =	sadd.s32 $0x94C00, s10;
	s10 =	smax.u32 s12, $0x1;
	s12 =	simm.s32 $0x3  }
.LBB2_1:
0x13: {  	[spmem:s11], [sflag:s6] =	dma.local [hbm:s5], $0x2780  }
0x14: {  	_ =	swait.ge [sflag:s12], $0x2780  }
0x15: {  	[sflag:s12] =	ssyncset.done $0x0  }
0x16: {  	[sflag:s12] =	ssyncadd.s32 $0xFFFFD880  }
0x17: {  	[tilespmem:s3], [sflag:$0x3] =	stream.strided.gather [hbm4b:s7+s13], $0x2800, s14, s13, $0x38;
	[tilespmem:$0x1FC00] =	vst v63  }
0x18: {  	_ =	swait.ge [sflag:s12], $0x2800  }
0x19: {  	[sflag:s12] =	ssyncset.done $0x0  }
0x1a: {  	[sflag:s12] =	ssyncadd.s32 $0xFFFFD800  }
0x1b: {  	[tilespmem:s15], [sflag:$0x3] =	stream.linear.gather [hbm4b:s8+s3], $0x3500, $0x38;
	[tilespmem:$0x1FC00] =	vst v63  }
0x1c: {  	_ =	swait.ge [sflag:s12], $0x3500  }
0x1d: {  	[sflag:s12] =	ssyncset.done $0x0  }
0x1e: {  	[sflag:s12] =	ssyncadd.s32 $0xFFFFCB00  }
0x1f: {  	[bflag:$0x0] =	sbarrier.arrive $0xFFFF  }
0x20: {  	[tilespmem:s17], [sflag:$0x1] =	stream.indirect.gather [hbm4b:s4+s16], $0x80, s3, s16, $0xb8;
	[tilespmem:$0x1FC00] =	vst v63  }
0x21: {  	_ = 	snop  }
0x22: {  	[tilespmem:s18], [sflag:$0x2] =	stream.indirect.gather [hbm4b:s4+s16], $0x80, s16, s16, $0xb8;
	[tilespmem:$0x1FC00] =	vst v63  }
0x23: {  	_ =	swait.ge [sflag:s19], $0x3000  }
0x24: {  	[sflag:s19] =	ssyncset.done $0x0  }
0x25: {  	s24 =	simm.s32 $0x2800;
	[sflag:s19] =	ssyncadd.s32 $0xFFFFD000  }
0x26: {  	[spmem:s2] =	stream.indirect.scatter.add.f32 [tilespmem:s17], [sflag:$0x3], $0x80, s24, s16, $0xb8;
	[tilespmem:$0x1FC00] =	vst v63  }
0x27: {  	_ =	swait.ge [sflag:s12], $0x3000  }
0x28: {  	[sflag:s12] =	ssyncset.done $0x0  }
0x29: {  	s30 =	simm.s32 $0xC0;
	[sflag:s12] =	ssyncadd.s32 $0xFFFFD000  }
0x2a: {  	[tilespmem:s17], [sflag:$0x1] =	stream.indirect.gather [hbm4b:s4+s16], $0x80, s30, s16, $0xb8;
	[tilespmem:$0x1FC00] =	vst v63  }
0x2b: {  	_ =	swait.ge [sflag:s20], $0x3000  }
0x2c: {  	[sflag:s20] =	ssyncset.done $0x0  }
0x2d: {  	s31 =	simm.s32 $0x2880;
	[sflag:s20] =	ssyncadd.s32 $0xFFFFD000  }
0x2e: {  	[spmem:s2] =	stream.indirect.scatter.add.f32 [tilespmem:s18], [sflag:$0x3], $0x80, s31, s16, $0xb8;
	[tilespmem:$0x1FC00] =	vst v63  }
0x2f: {  	_ =	swait.ge [sflag:s12], $0x3000  }
0x30: {  	s25 =	simm.s32 $0x400;
	[sflag:s12] =	ssyncset.done $0x0  }
0x31: {  	s26 =	simm.s32 $0x1E0;
	s24 =	simm.s32 $0x120;
	[sflag:s12] =	ssyncadd.s32 $0xFFFFD000  }
.LBB2_2:
0x32: {  	[tilespmem:s18], [sflag:$0x2] =	stream.indirect.gather [hbm4b:s4+s16], $0x80, s24, s16, $0xb8;
	[tilespmem:$0x1FC00] =	vst v63  }
0x33: {  	s28 =	smov.u32 s25;
	s24 =	smov.u32 s26  }
0x34: {  	p0 =	sne.s32 s25, $0xCC00;
	s25 =	sadd.s32 $0x400, s25;
	_ =	swait.ge [sflag:s19], $0x3000  }
0x35: {  	s28 =	sshra.s32 s28, $0x2;
	[sflag:s19] =	ssyncset.done $0x0  }
0x36: {  	s29 =	sadd.s32 $0x2800, s28;
	[sflag:s19] =	ssyncadd.s32 $0xFFFFD000  }
0x37: {  	[spmem:s2] =	stream.indirect.scatter.add.f32 [tilespmem:s17], [sflag:$0x3], $0x80, s29, s16, $0xb8;
	[tilespmem:$0x1FC00] =	vst v63  }
0x38: {  	_ =	swait.ge [sflag:s12], $0x3000  }
0x39: {  	[sflag:s12] =	ssyncset.done $0x0  }
0x3a: {  	s29 =	sadd.s32 $0xFFFFFFA0, s26;
	[sflag:s12] =	ssyncadd.s32 $0xFFFFD000  }
0x3b: {  	[tilespmem:s17], [sflag:$0x1] =	stream.indirect.gather [hbm4b:s4+s16], $0x80, s29, s16, $0xb8;
	[tilespmem:$0x1FC00] =	vst v63  }
0x3c: {  	_ =	swait.ge [sflag:s20], $0x3000  }
0x3d: {  	[sflag:s20] =	ssyncset.done $0x0  }
.Ltmp0:
0x3e: {  	s28 =	sadd.s32 $0x2880, s28;
	[sflag:s20] =	ssyncadd.s32 $0xFFFFD000;
	(pc) =	sbr.rel @p0 .LBB2_2-.Ltmp0, $4  }
0x3f: {  	[spmem:s2] =	stream.indirect.scatter.add.f32 [tilespmem:s18], [sflag:$0x3], $0x80, s28, s16, $0xb8;
	[tilespmem:$0x1FC00] =	vst v63  }
0x40: {  	_ =	swait.ge [sflag:s12], $0x3000  }
0x41: {  	[sflag:s12] =	ssyncset.done $0x0  }
0x42: {  	s26 =	sadd.s32 $0xC0, s26;
	[sflag:s12] =	ssyncadd.s32 $0xFFFFD000  }
0x43: {  	[tilespmem:s18], [sflag:$0x2] =	stream.indirect.gather [hbm4b:s4+s16], $0x80, s24, s16, $0xb8;
	[tilespmem:$0x1FC00] =	vst v63  }
0x44: {  	_ =	swait.ge [sflag:s19], $0x3000  }
0x45: {  	[sflag:s19] =	ssyncset.done $0x0  }
0x46: {  	[sflag:s19] =	ssyncadd.s32 $0xFFFFD000  }
0x47: {  	[spmem:s2] =	stream.indirect.scatter.add.f32 [tilespmem:s17], [sflag:$0x3], $0x80, s21, s16, $0xb8;
	[tilespmem:$0x1FC00] =	vst v63  }
0x48: {  	_ =	swait.ge [sflag:s12], $0x3000  }
0x49: {  	[sflag:s12] =	ssyncset.done $0x0  }
0x4a: {  	[sflag:s12] =	ssyncadd.s32 $0xFFFFD000  }
0x4b: {  	_ =	swait.ge [sflag:s20], $0x3000  }
0x4c: {  	[sflag:s20] =	ssyncset.done $0x0  }
0x4d: {  	[sflag:s20] =	ssyncadd.s32 $0xFFFFD000  }
0x4e: {  	[spmem:s2] =	stream.indirect.scatter.add.f32 [tilespmem:s18], [sflag:$0x3], $0x80, s22, s16, $0xb8;
	[tilespmem:$0x1FC00] =	vst v63  }
0x4f: {  	_ =	swait.ge [sflag:s12], $0x3000  }
0x50: {  	s23 =	sadd.s32 $0x1, s23;
	[sflag:s12] =	ssyncset.done $0x0  }
0x51: {  	p0 =	sne.s32 s23, s10;
	[sflag:s12] =	ssyncadd.s32 $0xFFFFD000  }
.Ltmp1:
0x52: {  	[bflag:$0x0] =	sbarrier.arrive $0xFFFF;
	(pc) =	sbr.rel @p0 .LBB2_1-.Ltmp1, $4  }
0x53: {  	[hbm:s9], [sflag:s6] =	dma.local [spmem:s11], $0x2780  }
0x54: {  	_ =	swait.ge [sflag:s12], $0x2780  }
0x55: {  	[sflag:s12] =	ssyncset.done $0x0  }
0x56: {  	[sflag:s12] =	ssyncadd.s32 $0xFFFFD880  }
0x57: {  	_ =	sfence.sel $0x180000  }
0x58: {  	[bflag:$0x0] =	sbarrier.arrive $0xFFFF  }
0x59: {  	p0 =	sne.s32 s0, $0x0;
	_ =	strace $0x9000004D  }
0x5a: {  	s0 =	sadd.s32 @!p0 $0x100000, s1;
	[bflag:$0x2] =	sbarrier.arrive $0xFFFF  }
0x5b: {  	[sflag:s0] =	ssyncadd.tile.s32 @!p0 $0x1;
	_ =	shalt  }
.Lfunc_end2:
_tile_overlayer_lowered:
.L_overlay_start_2:
0x5c: {  	(tag) =	ssettag $0x2  }
0x5d: {  	s0 =	rddreg [dreg:$0x0];
	s2 =	stileid.u32  }
0x5e: {  	s1 =	rddreg [dreg:$0x1];
	p0 =	sne.s32 s2, $0x0  }
0x5f: {  	s3 =	rddreg [dreg:$0x2];
	[bflag:$0x3] =	sbarrier.arrive $0xFFFF;
	s2 =	simm.s32 @!p0 $0x1C03  }
0x60: {  	[timem:s3], [sflag:s2] =	dma.local @!p0 [hbm:s0], s1  }
0x61: {  	s0 =	simm.s32 @!p0 $0x3  }
0x62: {  	_ =	swait.ge @!p0 [sflag:s0], s1  }
0x63: {  	s1 =	ssub.s32 @!p0 $0x0, s1;
	[sflag:s0] =	ssyncset.done @!p0 $0x0  }
0x64: {  	[sflag:s0] =	ssyncadd.s32 @!p0 s1  }
0x65: {  	[bflag:$0x3] =	sbarrier.arrive $0xFFFF  }
0x66: {  	_ =	shalt  }

// kernel: kernel.8.cloned.1.call-start
scs
__scs_entry_jumppad:
0x0: {  	(pc) =	sbr.rel $0x88, $3  }
0x1: {  	(tag) =	ssettag $0x0;
	lr =	simm.s32 $0x1  }
0x2: {  	[smem:$0x3F98] =	sst lr;
	_ =	strace $0xD0000000  }
0x3: {  	_ = 	snop  }
0x4: {  	_ = 	snop  }
0x5: {  	_ = 	snop  }
0x6: {  	_ = 	snop  }
0x7: {  	_ = 	snop  }
__scs_overlays_trampoline_lowered:
0x8: {  	[smem:$0x3FA7] =	sst s0  }
0x9: {  	[smem:$0x3FA8] =	sst s1  }
0xa: {  	[smem:$0x3FA9] =	sst s2  }
0xb: {  	[smem:$0x3FAA] =	sst s3  }
0xc: {  	[smem:$0x3FAB] =	sst s4  }
0xd: {  	[smem:$0x3FAC] =	sst s5  }
0xe: {  	[smem:$0x3FAD] =	sst s6  }
0xf: {  	[smem:$0x3FAE] =	sst s7  }
0x10: {  	[smem:$0x3FAF] =	sst s8  }
0x11: {  	[smem:$0x3FB0] =	sst s9;
	s0 =	simm.s32 @!p0 $0x0  }
0x12: {  	s1 =	sld [smem:$0x3F96];
	s0 =	simm.s32 @p0 $0x1  }
0x13: {  	[smem:$0x3FB1] =	sst s0;
	s0 =	simm.s32 @!p1 $0x0  }
0x14: {  	s2 =	sld [smem:$0x3F95];
	s0 =	simm.s32 @p1 $0x1  }
0x15: {  	[smem:$0x3FB2] =	sst s0;
	s0 =	simm.s32 @!p2 $0x0  }
0x16: {  	s3 =	sld [smem:$0x3FDB];
	s0 =	simm.s32 @p2 $0x1  }
0x17: {  	s4 =	simm.s32 $0x1BF5;
	[smem:$0x3FB4] =	sst s0  }
0x18: {  	s0 =	sld [smem:$0x3F97];
	_ =	swait.ge [sflag:s4], $0x0  }
0x19: {  	s7 =	sld [smem:$0x3F98]  }
0x1a: {  	s8 =	sadd.s32 $0xFFFFE003, lr  }
0x1b: {  	s9 =	sadd.s32 $0xFFFFFEF7, lr;
	s5 =	simm.s32 $0xFFFFFFFF;
	p2 =	slt.u32 s8, $0xFFFFF086  }
0x1c: {  	p1 =	slt.u32 s9, $0xF7A;
	s5 =	simm.s32 @!p2 $0x0  }
0x1d: {  	s5 =	simm.s32 @p1 $0x1;
	p0 =	seq.s32 s7, s2  }
0x1e: {  	s7 =	smul.u32 @!p0 $0xF7A, s2;
	p2 =	seq.s32 @!p0 s5, $0x0  }
0x1f: {  	s9 =	smul.u32 $0xF7A, s1;
	s8 =	simm.s32 @!p0 $0x1BF5;
	p2 =	por !p2, p0  }
0x20: {  	[sflag:s8] =	ssyncset.s32 @!p0 $0xFFFFF086;
	s6 =	sadd.s32 @!p0 s3, s7;
	s7 =	simm.s32 @!p0 $0x108  }
0x21: {  	s3 =	sadd.s32 s3, s9;
	s6 =	sadd.s32 @!p0 $0x88, s6;
	s7 =	simm.s32 @p2 $0x1082  }
0x22: {  	[simem:s7], [sflag:s8] =	dma.local @!p0 [hbm:s6], $0xF7A  }
0x23: {  	s9 =	sor.u32 $0xD0000000, s2;
	s6 =	simm.s32 $0x108;
	_ =	swait.ge @!p0 [sflag:s8], $0x0  }
0x24: {  	s3 =	sadd.s32 $0x88, s3;
	s6 =	simm.s32 @!p1 $0x1082;
	[sflag:s4] =	ssyncset.s32 $0xFFFFF086  }
0x25: {  	[simem:s6], [sflag:s4] =	dma.local [hbm:s3], $0xF7A  }
0x26: {  	[smem:$0x3F98] =	sst s1;
	(tag) =	ssettag s2;
	_ =	strace s9  }
0x27: {  	s1 =	sld [smem:$0x3FA8]  }
0x28: {  	s2 =	sld [smem:$0x3FA9]  }
0x29: {  	s4 =	sld [smem:$0x3FAB]  }
0x2a: {  	p0 =	seq.s32 s5, $0x0;
	s5 =	sld [smem:$0x3FAC]  }
0x2b: {  	s6 =	sld [smem:$0x3FAD]  }
0x2c: {  	s7 =	sld [smem:$0x3FAE]  }
0x2d: {  	s3 =	simm.s32 $0x108;
	s8 =	sld [smem:$0x3FAF]  }
0x2e: {  	s3 =	simm.s32 @!p0 $0x1082;
	s9 =	sld [smem:$0x3FB0]  }
0x2f: {  	lr =	sadd.s32 s0, s3;
	s0 =	sld [smem:$0x3FA7]  }
0x30: {  	s3 =	sld [smem:$0x3FAA]  }
0x31: {  	[smem:$0x3FB3] =	sst s10  }
0x32: {  	s10 =	sld [smem:$0x3FB1];
	_ =	sdelay $0x3  }
0x33: {  	p0 =	seq.s32 s10, $0x1;
	s10 =	sld [smem:$0x3FB3];
	_ =	sdelay $0x3  }
0x34: {  	[smem:$0x3FB3] =	sst s10  }
0x35: {  	s10 =	sld [smem:$0x3FB2];
	_ =	sdelay $0x3  }
0x36: {  	p1 =	seq.s32 s10, $0x1;
	s10 =	sld [smem:$0x3FB3];
	_ =	sdelay $0x3  }
0x37: {  	[smem:$0x3FB3] =	sst s10  }
0x38: {  	s10 =	sld [smem:$0x3FB4]  }
0x39: {  	_ = 	snop;
	(pc) =	sbr.ind lr, $3  }
0x3a: {  	_ = 	snop  }
0x3b: {  	_ = 	snop  }
0x3c: {  	p2 =	seq.s32 s10, $0x1;
	s10 =	sld [smem:$0x3FB3]  }
0x3d: {  	_ =	shalt  }
0x3e: {  	_ =	shalt  }
0x3f: {  	_ =	shalt  }
0x40: {  	_ =	shalt  }
0x41: {  	_ =	shalt  }
0x42: {  	_ =	shalt  }
0x43: {  	_ =	shalt  }
0x44: {  	_ =	shalt  }
0x45: {  	_ =	shalt  }
0x46: {  	_ =	shalt  }
0x47: {  	_ =	shalt  }
0x48: {  	_ =	shalt  }
0x49: {  	_ =	shalt  }
0x4a: {  	_ =	shalt  }
0x4b: {  	_ =	shalt  }
0x4c: {  	_ =	shalt  }
0x4d: {  	_ =	shalt  }
0x4e: {  	_ =	shalt  }
0x4f: {  	_ =	shalt  }
0x50: {  	_ =	shalt  }
0x51: {  	_ =	shalt  }
0x52: {  	_ =	shalt  }
0x53: {  	_ =	shalt  }
0x54: {  	_ =	shalt  }
0x55: {  	_ =	shalt  }
0x56: {  	_ =	shalt  }
0x57: {  	_ =	shalt  }
0x58: {  	_ =	shalt  }
0x59: {  	_ =	shalt  }
0x5a: {  	_ =	shalt  }
0x5b: {  	_ =	shalt  }
0x5c: {  	_ =	shalt  }
0x5d: {  	_ =	shalt  }
0x5e: {  	_ =	shalt  }
0x5f: {  	_ =	shalt  }
0x60: {  	_ =	shalt  }
0x61: {  	_ =	shalt  }
0x62: {  	_ =	shalt  }
0x63: {  	_ =	shalt  }
0x64: {  	_ =	shalt  }
0x65: {  	_ =	shalt  }
0x66: {  	_ =	shalt  }
0x67: {  	_ =	shalt  }
0x68: {  	_ =	shalt  }
0x69: {  	_ =	shalt  }
0x6a: {  	_ =	shalt  }
0x6b: {  	_ =	shalt  }
0x6c: {  	_ =	shalt  }
0x6d: {  	_ =	shalt  }
0x6e: {  	_ =	shalt  }
0x6f: {  	_ =	shalt  }
0x70: {  	_ =	shalt  }
0x71: {  	_ =	shalt  }
0x72: {  	_ =	shalt  }
0x73: {  	_ =	shalt  }
0x74: {  	_ =	shalt  }
0x75: {  	_ =	shalt  }
0x76: {  	_ =	shalt  }
0x77: {  	_ =	shalt  }
0x78: {  	_ =	shalt  }
0x79: {  	_ =	shalt  }
0x7a: {  	_ =	shalt  }
0x7b: {  	_ =	shalt  }
0x7c: {  	_ =	shalt  }
0x7d: {  	_ =	shalt  }
0x7e: {  	_ =	shalt  }
0x7f: {  	_ =	shalt  }
0x80: {  	_ =	shalt  }
0x81: {  	_ =	shalt  }
0x82: {  	_ =	shalt  }
0x83: {  	_ =	shalt  }
0x84: {  	_ =	shalt  }
0x85: {  	_ =	shalt  }
0x86: {  	_ =	shalt  }
0x87: {  	_ =	shalt  }
.Lfunc_end0:
.L_simem_size_0:
called_computation_lowered:
.L_overlay_start_0:
0x88: {  	s2 =	sld [smem:$0x3FD9]  }
0x89: {  	s3 =	sld [smem:$0x3FFE];
	_ =	sdelay $0x1  }
0x8a: {  	s1 =	srdreg.scid  }
0x8b: {  	s0 =	sand.u32 $0x1, s1  }
0x8c: {  	s16 =	sshll.u32 s0, $0xA;
	s2 =	sadd.s32 s3, s2  }
0x8d: {  	s2 =	sadd.s32 s2, s16  }
0x8e: {  	[smem:$0x3FBF] =	sst s2  }
0x8f: {  	_ = 	snop  }
0x90: {  	(tm) =	ssettm $0x1  }
0x91: {  	s17 =	sld [smem:$0x3FFB];
	_ =	sdelay $0x3  }
0x92: {  	_ =	strace s17  }
0x93: {  	s2 =	sld [smem:$0x3FFC];
	_ =	sdelay $0x3  }
0x94: {  	_ =	strace s2  }
0x95: {  	s2 =	sld [smem:$0x3FFD];
	_ =	sdelay $0x3  }
0x96: {  	_ =	strace s2  }
0x97: {  	_ =	strace $0x8FFFFFFF  }
0x98: {  	s18 =	sld [smem:$0x3FDB];
	_ =	sdelay $0x1  }
0x99: {  	s19 =	simm.s32 $_scs_section_size  }
0x9a: {  	s4 =	simm.s32 $_size__tile_overlayer_lowered;
	s5 =	simm.s32 $_tile_overlayer_lowered  }
0x9b: {  	s22 =	simm.s32 $0x1BFF;
	s21 =	sshll.u32 s5, $0x1;
	s2 =	sadd.s32 s19, s18  }
0x9c: {  	s6 =	simm.s32 $0x0;
	s20 =	sshll.u32 s4, $0x1;
	s4 =	sadd.s32 s21, s2  }
0x9d: {  	[timem:s6], [sflag:s22] =	dma.local [hbm:s4], s20  }
0x9e: {  	_ =	swait.ge [sflag:s22], s20  }
0x9f: {  	s3 =	ssub.s32 $0x0, s20;
	[sflag:s22] =	ssyncset.done $0x0  }
0xa0: {  	[sflag:s22] =	ssyncadd.s32 s3;
	_ =	sdelay $0x1  }
0xa1: {  	s23 =	simm.s32 $0x1B8B  }
0xa2: {  	_ =	swait.ge [sflag:s23], $0x1  }
0xa3: {  	[sflag:s23] =	ssyncset.done $0x0  }
0xa4: {  	s25 =	simm.s32 $0x1B8E;
	s24 =	sld [smem:$0x3FFE];
	[sflag:s23] =	ssyncadd.s32 $0xFFFFFFFF  }
0xa5: {  	s26 =	simm.s32 $execute0_lowered;
	[smem:$0x3FD2] =	sst s25  }
0xa6: {  	s4 =	sshll.u32 s26, $0x1;
	_ =	strace $0x80000046;
	[dreg:$0x1] =	wrdreg $0xFFFFFFFF  }
0xa7: {  	s28 =	simm.s32 $_size_execute0_lowered;
	s2 =	sadd.s32 s2, s4;
	[dreg:$0x0] =	wrdreg $0x0  }
0xa8: {  	s4 =	sshll.u32 s28, $0x1;
	[dreg:$0x2] =	wrdreg s2  }
0xa9: {  	[dreg:$0x3] =	wrdreg s4  }
0xaa: {  	[dreg:$0x4] =	wrdreg $0xC0  }
0xab: {  	_ =	task [dreg:s6], $0x5FFFF  }
0xac: {  	[dreg:$0x1] =	wrdreg $0xFFFFFFFF  }
0xad: {  	[dreg:$0x0] =	wrdreg $0x60  }
0xae: {  	[dreg:$0x2] =	wrdreg s24  }
0xaf: {  	[dreg:$0x3] =	wrdreg $0x68000  }
0xb0: {  	[dreg:$0x4] =	wrdreg $0x9  }
0xb1: {  	_ =	task.clear_ibuf [dreg:s6], $0x5FFFF;
	_ =	strace $0x90000046  }
0xb2: {  	s29 =	simm.s32 $0x9;
	_ =	strace $0x80000048  }
0xb3: {  	_ =	swait.ge [sflag:s29], $0x1  }
0xb4: {  	[sflag:s29] =	ssyncadd.s32 $0xFFFFFFFF  }
0xb5: {  	_ =	strace $0x90000048  }
0xb6: {  	_ =	sfence  }
0xb7: {  	s30 =	sld [smem:$0x0];
	_ =	sdelay $0x2  }
0xb8: {  	s31 =	sshll.u32 s1, $0xD;
	s1 =	sshrl.u32 s1, $0x2  }
0xb9: {  	s3 =	sand.u32 $0x4000, s31;
	s1 =	sadd.s32 s1, s30  }
0xba: {  	s0 =	sor.u32 s3, s0;
	s1 =	sshll.u32 s1, $0x11  }
0xbb: {  	s0 =	sor.u32 s1, s0  }
0xbc: {  	s0 =	sadd.s32 $0x8F2B, s0  }
0xbd: {  	[sflag:s0] =	ssyncadd.remote.s32 $0x1  }
0xbe: {  	_ =	sfence.sel $0xFFFF  }
0xbf: {  	[dreg:$0x0] =	wrdreg $0xFFFFFFFF;
	(pc) =	sbr.abs _section_cstart, $3  }
0xc0: {  	[dreg:$0x1] =	wrdreg $0xFFFFFFFF  }
0xc1: {  	_ =	task.clear_ibuf [dreg:s6], $0x2FFFF;
	_ =	strace $0x9FFFFFFF  }
0xc2: {  	(tm) =	ssettm $0x7FFFFFFF  }
0xc3: {  	_ =	shalt  }
tec
execute0_lowered:
.L_overlay_start_1:
0x0: {  	(tag) =	ssettag $0x1  }
0x1: {  	s7 =	rddreg [dreg:$0x0]  }
0x2: {  	s0 =	srdreg.scid;
	s2 =	rddreg [dreg:$0x1];
	s3 =	simm.s32 $0x0  }
0x3: {  	s13 =	simm.s32 $0x60;
	s14 =	simm.s32 $0x1;
	s6 =	sand.u32 $0x1, s0  }
0x4: {  	s15 =	simm.s32 $0x0;
	s0 =	stileid.u32;
	s5 =	smul.u32 $0x13C000, s6  }
0x5: {  	[smem:$0x7FF] =	sst s3;
	s1 =	sshll.u32 s6, $0x4;
	s8 =	smul.u32 $0x13C00, s0  }
0x6: {  	s10 =	smul.u32 $0x4F000, s0;
	s6 =	ssub.s32 $0x2, s6;
	s1 =	sor.u32 s0, s1  }
0x7: {  	s11 =	sshll.u32 s0, $0x6;
	s31 =	sshrl.u32 s6, $0x1;
	s4 =	smul.u32 $0x700, s1  }
0x8: {  	s1 =	rddreg [dreg:$0x2];
	_ =	strace $0x80000047;
	s5 =	sadd.s32 s8, s5  }
0x9: {  	s10 =	sshrl.u32 s10, $0x2;
	s12 =	ssub.s32 s6, s31;
	s6 =	sor.u32 $0x1C02, s11  }
0xa: {  	s11 =	simm.s32 $0x2;
	s8 =	sshrl.u32 s5, $0x3;
	s5 =	sadd.s32 $0x11C00, s7  }
0xb: {  	s10 =	sadd.s32 s10, s2;
	s9 =	sadd.s32 s4, s7;
	s4 =	sadd.s32 $0x14400, s7  }
0xc: {  	s8 =	sadd.s32 s8, s7;
	s10 =	sshrl.u32 s10, $0x3;
	s7 =	sadd.s32 $0x3C00, s9  }
0xd: {  	s8 =	sadd.s32 $0x14A00, s8;
	s9 =	smax.u32 s12, $0x1;
	s12 =	simm.s32 $0x3800  }
.LBB2_1:
0xe: {  	[spmem:s10], [sflag:s6] =	dma.local [hbm:s5], $0x2780  }
0xf: {  	_ =	swait.ge [sflag:s11], $0x2780  }
0x10: {  	[sflag:s11] =	ssyncset.done $0x0  }
0x11: {  	[sflag:s11] =	ssyncadd.s32 $0xFFFFD880  }
0x12: {  	[tilespmem:s12], [sflag:$0x2] =	stream.linear.gather [hbm4b:s4+s3], $0x3000, $0x38;
	[tilespmem:$0x1A400] =	vst v63  }
0x13: {  	_ =	swait.ge [sflag:s11], $0x3000  }
0x14: {  	[sflag:s11] =	ssyncset.done $0x0  }
0x15: {  	[sflag:s11] =	ssyncadd.s32 $0xFFFFD000  }
0x16: {  	[tilespmem:s3], [sflag:$0x2] =	stream.linear.gather [hbm4b:s7+s3], $0x3500, $0x38;
	[tilespmem:$0x1A400] =	vst v63  }
0x17: {  	_ =	swait.ge [sflag:s11], $0x3500  }
0x18: {  	[sflag:s11] =	ssyncset.done $0x0  }
0x19: {  	[sflag:s11] =	ssyncadd.s32 $0xFFFFCB00  }
0x1a: {  	s16 =	simm.s32 $0x0;
	[bflag:$0x0] =	sbarrier.arrive $0xFFFF  }
.LBB2_2:
0x1b: {  	p0 =	sne.s32 s16, $0xD200  }
.Ltmp0:
0x1c: {  	_ = 	snop;
	(pc) =	sbr.rel @p0 .LBB2_2-.Ltmp0, $3  }
0x1d: {  	_ =	sdelay $0x1  }
0x1e: {  	s17 =	sshra.s32 s16, $0x2;
	s16 =	sadd.s32 $0x200, s16  }
0x1f: {  	[spmem:s2] =	stream.indirect.scatter.add.f32 [tilespmem:s12], [sflag:$0x1], $0x80, s17, s13, $0xb8;
	[tilespmem:$0x1A400] =	vst v63  }
0x20: {  	_ =	swait.ge [sflag:s14], $0x3000  }
0x21: {  	s16 =	simm.s32 $0x69;
	[sflag:s14] =	ssyncset.done $0x0  }
.LBB2_4:
0x22: {  	p0 =	sne.s32 s16, $0x1;
	s16 =	sadd.s32 $0xFFFFFFFF, s16;
	[sflag:s14] =	ssyncadd.s32 $0xFFFFD000  }
.Ltmp1:
0x23: {  	(pc) =	sbr.rel @p0 .LBB2_4-.Ltmp1, $3  }
0x24: {  	_ =	sdelay $0x1  }
0x25: {  	_ =	swait.ge [sflag:s14], $0x3000  }
0x26: {  	[sflag:s14] =	ssyncset.done $0x0  }
0x27: {  	s15 =	sadd.s32 $0x1, s15  }
0x28: {  	[sflag:s14] =	ssyncadd.s32 $0xFFFFD000;
	p0 =	sne.s32 s15, s9  }
.Ltmp2:
0x29: {  	[bflag:$0x0] =	sbarrier.arrive $0xFFFF;
	(pc) =	sbr.rel @p0 .LBB2_1-.Ltmp2, $4  }
0x2a: {  	[hbm:s8], [sflag:s6] =	dma.local [spmem:s10], $0x2780  }
0x2b: {  	_ =	swait.ge [sflag:s11], $0x2780  }
0x2c: {  	[sflag:s11] =	ssyncset.done $0x0  }
0x2d: {  	[sflag:s11] =	ssyncadd.s32 $0xFFFFD880  }
0x2e: {  	_ =	sfence.sel $0x180000  }
0x2f: {  	[bflag:$0x0] =	sbarrier.arrive $0xFFFF  }
0x30: {  	p0 =	sne.s32 s0, $0x0;
	_ =	strace $0x90000047  }
0x31: {  	s0 =	sadd.s32 @!p0 $0x100000, s1;
	[bflag:$0x2] =	sbarrier.arrive $0xFFFF  }
0x32: {  	[sflag:s0] =	ssyncadd.tile.s32 @!p0 $0x1;
	_ =	shalt  }
.Lfunc_end2:
_tile_overlayer_lowered:
.L_overlay_start_2:
0x33: {  	(tag) =	ssettag $0x2  }
0x34: {  	s0 =	rddreg [dreg:$0x0];
	s2 =	stileid.u32  }
0x35: {  	s1 =	rddreg [dreg:$0x1];
	p0 =	sne.s32 s2, $0x0  }
0x36: {  	s3 =	rddreg [dreg:$0x2];
	[bflag:$0x3] =	sbarrier.arrive $0xFFFF;
	s2 =	simm.s32 @!p0 $0x1C02  }
0x37: {  	[timem:s3], [sflag:s2] =	dma.local @!p0 [hbm:s0], s1  }
0x38: {  	s0 =	simm.s32 @!p0 $0x2  }
0x39: {  	_ =	swait.ge @!p0 [sflag:s0], s1  }
0x3a: {  	s1 =	ssub.s32 @!p0 $0x0, s1;
	[sflag:s0] =	ssyncset.done @!p0 $0x0  }
0x3b: {  	[sflag:s0] =	ssyncadd.s32 @!p0 s1  }
0x3c: {  	[bflag:$0x3] =	sbarrier.arrive $0xFFFF  }
0x3d: {  	_ =	shalt  }

</sc_bundles>
